<compile_context>
chip_gen: v7x
topology: tpu7x:2x2x1
jax: 0.10.2.dev20260603
libtpu: 0.0.44.dev20260713+nightly
codegen_flags: <defaults>
</compile_context>

<pallas_src>
import jax
import jax.numpy as jnp
from jax import lax
from jax.experimental import pallas as pl
from jax.experimental.pallas import tpu as pltpu
from jax.experimental.pallas import tpu_sc as plsc

N_NODES = 10000
N_PAD = 10240
N_EDGES = 320000
NC = 2
NS = 16
NW = NC * NS
K = 112
NITER = 90
E_PAD = NW * NITER * K
ROWS_PT = N_PAD // NS
DEGW = 16

_mesh = plsc.VectorSubcoreMesh(core_axis_name="c", subcore_axis_name="s")


def _deg_body(dst_hbm, ones_hbm, zeros_hbm, out_hbm, deg_sp, idx_v, ones_v):
    c = lax.axis_index("c")
    s = lax.axis_index("s")
    wid = s * NC + c
    pltpu.sync_copy(zeros_hbm.at[pl.ds(s * ROWS_PT, ROWS_PT)],
                    deg_sp.at[pl.ds(s * ROWS_PT, ROWS_PT)])
    pltpu.sync_copy(ones_hbm, ones_v)
    pltpu.sync_copy(dst_hbm.at[wid], idx_v)
    plsc.subcore_barrier()

    def chunk(j, carry):
        pltpu.sync_copy(ones_v, deg_sp.at[idx_v.at[j]], add=True)
        return carry

    lax.fori_loop(0, NITER, chunk, 0, unroll=False)
    plsc.subcore_barrier()
    pltpu.sync_copy(deg_sp.at[pl.ds(s * ROWS_PT, ROWS_PT)],
                    out_hbm.at[c, pl.ds(s * ROWS_PT, ROWS_PT)])


def _degree_partials(dst_r, ones16, zeros16):
    return pl.kernel(
        _deg_body,
        out_type=jax.ShapeDtypeStruct((NC, N_PAD, DEGW), jnp.float32),
        mesh=_mesh,
        scratch_types=[
            pltpu.VMEM_SHARED((N_PAD, DEGW), jnp.float32),
            pltpu.VMEM((NITER, K), jnp.int32),
            pltpu.VMEM((K, DEGW), jnp.float32),
        ],
        compiler_params=pltpu.CompilerParams(use_tc_tiling_on_sc=False),
    )(dst_r, ones16, zeros16)


def _scatter_body(src_hbm, dst_hbm, u_hbm, zeros_hbm, out_hbm,
                  agg_sp, sidx_v, didx_v, rows_v, sem):
    c = lax.axis_index("c")
    s = lax.axis_index("s")
    wid = s * NC + c
    pltpu.sync_copy(zeros_hbm.at[pl.ds(s * ROWS_PT, ROWS_PT)],
                    agg_sp.at[pl.ds(s * ROWS_PT, ROWS_PT)])
    pltpu.sync_copy(src_hbm.at[wid], sidx_v)
    pltpu.sync_copy(dst_hbm.at[wid], didx_v)
    plsc.subcore_barrier()

    pltpu.async_copy(u_hbm.at[sidx_v.at[0]], rows_v.at[0], sem.at[0])
    pltpu.async_copy(u_hbm.at[sidx_v.at[1]], rows_v.at[1], sem.at[1])

    def chunk(j, carry):
        b = lax.rem(j, 2)
        pltpu.make_async_copy(u_hbm.at[sidx_v.at[j]], rows_v.at[b],
                              sem.at[b]).wait()
        pltpu.sync_copy(rows_v.at[b], agg_sp.at[didx_v.at[j]], add=True)

        @pl.when(j + 2 < NITER)
        def _():
            pltpu.async_copy(u_hbm.at[sidx_v.at[j + 2]], rows_v.at[b],
                             sem.at[b])

        return carry

    lax.fori_loop(0, NITER, chunk, 0, unroll=False)
    plsc.subcore_barrier()
    pltpu.sync_copy(agg_sp.at[pl.ds(s * ROWS_PT, ROWS_PT)],
                    out_hbm.at[c, pl.ds(s * ROWS_PT, ROWS_PT)])


def _scatter_partials(src_r, dst_r, u, zeros_d, d):
    return pl.kernel(
        _scatter_body,
        out_type=jax.ShapeDtypeStruct((NC, N_PAD, d), jnp.float32),
        mesh=_mesh,
        scratch_types=[
            pltpu.VMEM_SHARED((N_PAD, d), jnp.float32),
            pltpu.VMEM((NITER, K), jnp.int32),
            pltpu.VMEM((NITER, K), jnp.int32),
            pltpu.VMEM((2, K, d), jnp.float32),
            pltpu.SemaphoreType.DMA((2,)),
        ],
        compiler_params=pltpu.CompilerParams(use_tc_tiling_on_sc=False),
    )(src_r, dst_r, u, zeros_d)


_RB = 1000


def _dinv_of(degp_ref):
    deg = degp_ref[0, :, 0:1] + degp_ref[1, :, 0:1] + 1.0
    return lax.rsqrt(deg)


def _mm1_body(degp_ref, x_ref, w_ref, u_ref):
    dinv = _dinv_of(degp_ref)
    xw = jnp.dot(x_ref[...], w_ref[...], preferred_element_type=jnp.float32)
    u_ref[...] = dinv * xw


def _mid_body(degp_ref, agg_ref, u_ref, b_ref, w_ref, u2_ref):
    dinv = _dinv_of(degp_ref)
    tot = agg_ref[0] + agg_ref[1] + u_ref[...]
    h = jnp.maximum(dinv * tot + b_ref[...], 0.0)
    hw = jnp.dot(h, w_ref[...], preferred_element_type=jnp.float32)
    u2_ref[...] = dinv * hw


def _fin_body(degp_ref, agg_ref, u_ref, b_ref, out_ref):
    dinv = _dinv_of(degp_ref)
    out_ref[...] = dinv * (agg_ref[0] + agg_ref[1] + u_ref[...]) + b_ref[...]


def _deg_spec():
    return pl.BlockSpec((NC, _RB, DEGW), lambda i: (0, i, 0))


def _full(shape):
    return pl.BlockSpec(shape, lambda i: tuple(0 for _ in shape))


def _tc_mm1(degp, x, w1):
    return pl.pallas_call(
        _mm1_body,
        grid=(N_NODES // _RB,),
        in_specs=[_deg_spec(),
                  pl.BlockSpec((_RB, 128), lambda i: (i, 0)),
                  _full((128, 128))],
        out_specs=pl.BlockSpec((_RB, 128), lambda i: (i, 0)),
        out_shape=jax.ShapeDtypeStruct((N_NODES, 128), jnp.float32),
    )(degp, x, w1)


def _tc_mid(degp, agg1, u1, b1, w2):
    return pl.pallas_call(
        _mid_body,
        grid=(N_NODES // _RB,),
        in_specs=[_deg_spec(),
                  pl.BlockSpec((NC, _RB, 128), lambda i: (0, i, 0)),
                  pl.BlockSpec((_RB, 128), lambda i: (i, 0)),
                  _full((1, 128)),
                  _full((128, 64))],
        out_specs=pl.BlockSpec((_RB, 64), lambda i: (i, 0)),
        out_shape=jax.ShapeDtypeStruct((N_NODES, 64), jnp.float32),
    )(degp, agg1, u1, b1, w2)


def _tc_fin(degp, agg2, u2, b2):
    return pl.pallas_call(
        _fin_body,
        grid=(N_NODES // _RB,),
        in_specs=[_deg_spec(),
                  pl.BlockSpec((NC, _RB, 64), lambda i: (0, i, 0)),
                  pl.BlockSpec((_RB, 64), lambda i: (i, 0)),
                  _full((1, 64))],
        out_specs=pl.BlockSpec((_RB, 64), lambda i: (i, 0)),
        out_shape=jax.ShapeDtypeStruct((N_NODES, 64), jnp.float32),
    )(degp, agg2, u2, b2)


def kernel(x, edge_index, W1, b1, W2, b2):
    npad = E_PAD - N_EDGES
    pad_iota = jnp.arange(npad, dtype=jnp.int32)
    pad_src = (pad_iota * 7) % N_NODES
    pad_dst = N_NODES + pad_iota % (N_PAD - N_NODES)
    src_r = jnp.concatenate(
        [edge_index[0].astype(jnp.int32), pad_src]).reshape(NW, NITER, K)
    dst_r = jnp.concatenate(
        [edge_index[1].astype(jnp.int32), pad_dst]).reshape(NW, NITER, K)
    ones16 = jnp.ones((K, DEGW), jnp.float32)
    zeros16 = jnp.zeros((N_PAD, DEGW), jnp.float32)
    zeros128 = jnp.zeros((N_PAD, 128), jnp.float32)
    zeros64 = jnp.zeros((N_PAD, 64), jnp.float32)

    degp = _degree_partials(dst_r, ones16, zeros16)
    u1 = _tc_mm1(degp, x, W1)
    agg1 = _scatter_partials(src_r, dst_r, u1, zeros128, 128)
    u2 = _tc_mid(degp, agg1, u1, b1.reshape(1, 128), W2)
    agg2 = _scatter_partials(src_r, dst_r, u2, zeros64, 64)
    return _tc_fin(degp, agg2, u2, b2.reshape(1, 64))

# --- scband reference (transcript-rebuilt; emitter-appended) ---
"""Pipeline reference for scband-gcnclassifier-72911364817470 (READ-ONLY COPY).

The authoritative reference and input builder live on the scoring server;
editing this copy changes nothing except your own understanding.
"""

import jax, jax.numpy as jnp
import numpy as np

N_NODES = 10000
N_EDGES = 320000
D_IN = 128
D_HID = 128
N_CLS = 64


def setup_inputs(seed: int = 0) -> dict:
    key = jax.random.key(seed)
    k1, k2, k3, k4, k5, k6 = jax.random.split(key, 6)
    x = jax.random.normal(k1, (N_NODES, D_IN), dtype=jnp.float32)
    edge_index = jax.random.randint(k2, (2, N_EDGES), 0, N_NODES, dtype=jnp.int64)
    # Glorot-style init for GCNConv weights, zeros for bias (PyG default)
    s1 = (6.0 / (D_IN + D_HID)) ** 0.5
    W1 = jax.random.uniform(k3, (D_IN, D_HID), dtype=jnp.float32, minval=-s1, maxval=s1)
    b1 = jnp.zeros((D_HID,), dtype=jnp.float32)
    s2 = (6.0 / (D_HID + N_CLS)) ** 0.5
    W2 = jax.random.uniform(k4, (D_HID, N_CLS), dtype=jnp.float32, minval=-s2, maxval=s2)
    b2 = jnp.zeros((N_CLS,), dtype=jnp.float32)
    return {"x": x, "edge_index": edge_index, "W1": W1, "b1": b1, "W2": W2, "b2": b2}


def _gcn_conv(x, W, b, src, dst, n_nodes):
    # PyG GCNConv: linear transform, add self-loops, symmetric normalization,
    # scatter-add aggregation, then bias.
    xw = x @ W
    loop = jnp.arange(n_nodes, dtype=src.dtype)
    src2 = jnp.concatenate([src, loop])
    dst2 = jnp.concatenate([dst, loop])
    ew = jnp.ones((src2.shape[0],), dtype=x.dtype)  # edge_weight=None -> ones (self-loop fill=1)
    deg = jnp.zeros((n_nodes,), dtype=x.dtype).at[dst2].add(ew)
    dinv = jnp.where(deg > 0, deg ** -0.5, 0.0)
    norm = dinv[src2] * dinv[dst2] * ew
    msg = xw[src2] * norm[:, None]
    out = jnp.zeros((n_nodes, xw.shape[1]), dtype=x.dtype).at[dst2].add(msg)
    return out + b


def reference(x, edge_index, W1, b1, W2, b2):
    src = edge_index[0]
    dst = edge_index[1]
    n = x.shape[0]
    h = _gcn_conv(x, W1, b1, src, dst, n)
    h = jax.nn.relu(h)
    # dropout is identity in eval/deterministic reference
    logits = _gcn_conv(h, W2, b2, src, dst, n)
    return logits

if __name__ == "__main__":
    import jax
    _d = setup_inputs()
    print(jax.jit(kernel)(*tuple(_d.values())))

</pallas_src>

<mosaic_0001>
#map = affine_map<(d0, d1) -> (0, 0, 0)>
#map1 = affine_map<(d0, d1) -> (0, 0)>
module attributes {stable_mosaic.version = 14 : i64} {
  func.func @_deg_body(%arg0: i32, %arg1: i32, %arg2: memref<32x90x112xi32, #tpu.memory_space<hbm>>, %arg3: memref<112x16xf32, #tpu.memory_space<hbm>>, %arg4: memref<10240x16xf32, #tpu.memory_space<hbm>>, %arg5: memref<2x10240x16xf32, #tpu.memory_space<hbm>>, %arg6: memref<10240x16xf32, #tpu.memory_space<vmem_shared>>, %arg7: memref<90x112xi32, #tpu.memory_space<vmem>>, %arg8: memref<112x16xf32, #tpu.memory_space<vmem>>) attributes {dimension_semantics = [#tpu.dimension_semantics<core_parallel>, #tpu.dimension_semantics<subcore_parallel>], iteration_bounds = array<i64: 2, 16>, scalar_prefetch = 0 : i64, scratch_operands = 3 : i64, tpu.core_type = #tpu.core_type<sc_vector_subcore>, window_params = [{transform_indices = #map}, {transform_indices = #map1}, {transform_indices = #map1}, {transform_indices = #map}]} {
    %mul3A = arith.constant 2 : i32
    %mul3A_0 = arith.muli %arg1, %mul3A : i32
    %add3A = arith.addi %mul3A_0, %arg0 : i32
    %mul3A_1 = arith.constant 640 : i32
    %mul3A_2 = arith.muli %arg1, %mul3A_1 : i32
    %mul3A_3 = arith.constant 640 : i32
    %mul3A_4 = arith.muli %arg1, %mul3A_3 : i32
    "tpu.region"() ({
      %run_scoped3A = tpu.sem_alloc : memref<!tpu.dma_semaphore, #tpu.memory_space<semaphore_mem>>
      %dma_start3A = arith.constant 0 : i32
      %dma_start3A_15 = tpu.memref_slice %arg6[%mul3A_4, %dma_start3A] : memref<10240x16xf32, #tpu.memory_space<vmem_shared>> -> memref<640x16xf32, #tpu.memory_space<vmem_shared>>
      %dma_start3A_16 = arith.constant 0 : i32
      %dma_start3A_17 = tpu.memref_slice %arg4[%mul3A_2, %dma_start3A_16] : memref<10240x16xf32, #tpu.memory_space<hbm>> -> memref<640x16xf32, #tpu.memory_space<hbm>>
      tpu.enqueue_dma source(%dma_start3A_17 : memref<640x16xf32, #tpu.memory_space<hbm>>) target(%dma_start3A_15 : memref<640x16xf32, #tpu.memory_space<vmem_shared>>) target_semaphore(%run_scoped3A : memref<!tpu.dma_semaphore, #tpu.memory_space<semaphore_mem>>)
      %dma_wait3A = arith.constant 0 : i32
      %dma_wait3A_18 = tpu.memref_slice %arg6[%mul3A_4, %dma_wait3A] : memref<10240x16xf32, #tpu.memory_space<vmem_shared>> -> memref<640x16xf32, #tpu.memory_space<vmem_shared>>
      %dma_wait3A_19 = arith.constant 0 : i32
      %dma_wait3A_20 = tpu.memref_slice %arg4[%mul3A_2, %dma_wait3A_19] : memref<10240x16xf32, #tpu.memory_space<hbm>> -> memref<640x16xf32, #tpu.memory_space<hbm>>
      tpu.wait_dma2 semaphore(%run_scoped3A : memref<!tpu.dma_semaphore, #tpu.memory_space<semaphore_mem>>) src(%dma_wait3A_20 : memref<640x16xf32, #tpu.memory_space<hbm>>) dst(%dma_wait3A_18 : memref<640x16xf32, #tpu.memory_space<vmem_shared>>)
      tpu.yield
    }) : () -> ()
    "tpu.region"() ({
      %run_scoped3A = tpu.sem_alloc : memref<!tpu.dma_semaphore, #tpu.memory_space<semaphore_mem>>
      tpu.enqueue_dma source(%arg3 : memref<112x16xf32, #tpu.memory_space<hbm>>) target(%arg8 : memref<112x16xf32, #tpu.memory_space<vmem>>) target_semaphore(%run_scoped3A : memref<!tpu.dma_semaphore, #tpu.memory_space<semaphore_mem>>)
      tpu.wait_dma2 semaphore(%run_scoped3A : memref<!tpu.dma_semaphore, #tpu.memory_space<semaphore_mem>>) src(%arg3 : memref<112x16xf32, #tpu.memory_space<hbm>>) dst(%arg8 : memref<112x16xf32, #tpu.memory_space<vmem>>)
      tpu.yield
    }) : () -> ()
    "tpu.region"() ({
      %run_scoped3A = tpu.sem_alloc : memref<!tpu.dma_semaphore, #tpu.memory_space<semaphore_mem>>
      %dma_start3A = arith.constant 0 : i32
      %dma_start3A_15 = arith.constant 0 : i32
      %dma_start3A_16 = tpu.memref_slice %arg2[%add3A, %dma_start3A, %dma_start3A_15] : memref<32x90x112xi32, #tpu.memory_space<hbm>> -> memref<1x90x112xi32, #tpu.memory_space<hbm>>
      %dma_start3A_17 = tpu.memref_squeeze %dma_start3A_16 : memref<1x90x112xi32, #tpu.memory_space<hbm>> -> memref<90x112xi32, #tpu.memory_space<hbm>>
      %dma_start3A_18 = arith.constant 0 : i32
      %dma_start3A_19 = arith.constant 0 : i32
      %dma_start3A_20 = tpu.memref_slice %arg2[%add3A, %dma_start3A_18, %dma_start3A_19] : memref<32x90x112xi32, #tpu.memory_space<hbm>> -> memref<1x90x112xi32, #tpu.memory_space<hbm>>
      %dma_start3A_21 = tpu.memref_squeeze %dma_start3A_20 : memref<1x90x112xi32, #tpu.memory_space<hbm>> -> memref<90x112xi32, #tpu.memory_space<hbm>>
      tpu.enqueue_dma source(%dma_start3A_21 : memref<90x112xi32, #tpu.memory_space<hbm>>) target(%arg7 : memref<90x112xi32, #tpu.memory_space<vmem>>) target_semaphore(%run_scoped3A : memref<!tpu.dma_semaphore, #tpu.memory_space<semaphore_mem>>)
      %dma_wait3A = arith.constant 0 : i32
      %dma_wait3A_22 = arith.constant 0 : i32
      %dma_wait3A_23 = tpu.memref_slice %arg2[%add3A, %dma_wait3A, %dma_wait3A_22] : memref<32x90x112xi32, #tpu.memory_space<hbm>> -> memref<1x90x112xi32, #tpu.memory_space<hbm>>
      %dma_wait3A_24 = tpu.memref_squeeze %dma_wait3A_23 : memref<1x90x112xi32, #tpu.memory_space<hbm>> -> memref<90x112xi32, #tpu.memory_space<hbm>>
      %dma_wait3A_25 = arith.constant 0 : i32
      %dma_wait3A_26 = arith.constant 0 : i32
      %dma_wait3A_27 = tpu.memref_slice %arg2[%add3A, %dma_wait3A_25, %dma_wait3A_26] : memref<32x90x112xi32, #tpu.memory_space<hbm>> -> memref<1x90x112xi32, #tpu.memory_space<hbm>>
      %dma_wait3A_28 = tpu.memref_squeeze %dma_wait3A_27 : memref<1x90x112xi32, #tpu.memory_space<hbm>> -> memref<90x112xi32, #tpu.memory_space<hbm>>
      tpu.wait_dma2 semaphore(%run_scoped3A : memref<!tpu.dma_semaphore, #tpu.memory_space<semaphore_mem>>) src(%dma_wait3A_28 : memref<90x112xi32, #tpu.memory_space<hbm>>) dst(%arg7 : memref<90x112xi32, #tpu.memory_space<vmem>>)
      tpu.yield
    }) : () -> ()
    %barrier3A = arith.constant 0 : index
    tpu.barrier barrier_id(%barrier3A)
    %scan3A = arith.constant 0 : i32
    %scan3A_5 = arith.constant 0 : i32
    %scan3A_6 = arith.constant 90 : i32
    %scan3A_7 = arith.addi %scan3A_5, %scan3A_6 : i32
    %scan3A_8 = arith.constant 1 : i32
    scf.for %scan3A_15 = %scan3A_5 to %scan3A_7 step %scan3A_8  : i32 {
      "tpu.region"() ({
        %run_scoped3A = tpu.sem_alloc : memref<!tpu.dma_semaphore, #tpu.memory_space<semaphore_mem>>
        %dma_start3A = arith.constant 0 : i32
        %dma_start3A_16 = tpu.memref_slice %arg7[%scan3A_15, %dma_start3A] : memref<90x112xi32, #tpu.memory_space<vmem>> -> memref<1x112xi32, #tpu.memory_space<vmem>>
        %dma_start3A_17 = tpu.memref_squeeze %dma_start3A_16 : memref<1x112xi32, #tpu.memory_space<vmem>> -> memref<112xi32, #tpu.memory_space<vmem>>
        %dma_start3A_18 = arith.constant 0 : i32
        %dma_start3A_19 = arith.constant 0 : i32
        %dma_start3A_20 = tpu.memref_slice %arg6[%dma_start3A_18, %dma_start3A_19] : memref<10240x16xf32, #tpu.memory_space<vmem_shared>> -> memref<10240x16xf32, #tpu.memory_space<vmem_shared>>
        tpu.enqueue_indirect_dma source(%arg8 : memref<112x16xf32, #tpu.memory_space<vmem>>) target(%dma_start3A_20 : memref<10240x16xf32, #tpu.memory_space<vmem_shared>>) offsets(%dma_start3A_17 : memref<112xi32, #tpu.memory_space<vmem>>) semaphore(%run_scoped3A : memref<!tpu.dma_semaphore, #tpu.memory_space<semaphore_mem>>) {add = true}
        %dma_wait3A = arith.constant 0 : i32
        %dma_wait3A_21 = tpu.memref_slice %arg7[%scan3A_15, %dma_wait3A] : memref<90x112xi32, #tpu.memory_space<vmem>> -> memref<1x112xi32, #tpu.memory_space<vmem>>
        %dma_wait3A_22 = tpu.memref_squeeze %dma_wait3A_21 : memref<1x112xi32, #tpu.memory_space<vmem>> -> memref<112xi32, #tpu.memory_space<vmem>>
        %dma_wait3A_23 = arith.constant 0 : i32
        %dma_wait3A_24 = arith.constant 0 : i32
        %dma_wait3A_25 = tpu.memref_slice %arg6[%dma_wait3A_23, %dma_wait3A_24] : memref<10240x16xf32, #tpu.memory_space<vmem_shared>> -> memref<10240x16xf32, #tpu.memory_space<vmem_shared>>
        tpu.wait_indirect_dma semaphore(%run_scoped3A : memref<!tpu.dma_semaphore, #tpu.memory_space<semaphore_mem>>) src(%arg8 : memref<112x16xf32, #tpu.memory_space<vmem>>) dst(%dma_wait3A_25 : memref<10240x16xf32, #tpu.memory_space<vmem_shared>>)
        tpu.yield
      }) : () -> ()
    }
    %scan3A_9 = arith.constant 90 : i32
    %barrier3A_10 = arith.constant 0 : index
    tpu.barrier barrier_id(%barrier3A_10)
    %mul3A_11 = arith.constant 640 : i32
    %mul3A_12 = arith.muli %arg1, %mul3A_11 : i32
    %mul3A_13 = arith.constant 640 : i32
    %mul3A_14 = arith.muli %arg1, %mul3A_13 : i32
    "tpu.region"() ({
      %run_scoped3A = tpu.sem_alloc : memref<!tpu.dma_semaphore, #tpu.memory_space<semaphore_mem>>
      %dma_start3A = arith.constant 0 : i32
      %dma_start3A_15 = tpu.memref_slice %arg5[%arg0, %mul3A_14, %dma_start3A] : memref<2x10240x16xf32, #tpu.memory_space<hbm>> -> memref<1x640x16xf32, #tpu.memory_space<hbm>>
      %dma_start3A_16 = tpu.memref_squeeze %dma_start3A_15 : memref<1x640x16xf32, #tpu.memory_space<hbm>> -> memref<640x16xf32, #tpu.memory_space<hbm>>
      %dma_start3A_17 = arith.constant 0 : i32
      %dma_start3A_18 = tpu.memref_slice %arg6[%mul3A_12, %dma_start3A_17] : memref<10240x16xf32, #tpu.memory_space<vmem_shared>> -> memref<640x16xf32, #tpu.memory_space<vmem_shared>>
      tpu.enqueue_dma source(%dma_start3A_18 : memref<640x16xf32, #tpu.memory_space<vmem_shared>>) target(%dma_start3A_16 : memref<640x16xf32, #tpu.memory_space<hbm>>) target_semaphore(%run_scoped3A : memref<!tpu.dma_semaphore, #tpu.memory_space<semaphore_mem>>)
      %dma_wait3A = arith.constant 0 : i32
      %dma_wait3A_19 = tpu.memref_slice %arg5[%arg0, %mul3A_14, %dma_wait3A] : memref<2x10240x16xf32, #tpu.memory_space<hbm>> -> memref<1x640x16xf32, #tpu.memory_space<hbm>>
      %dma_wait3A_20 = tpu.memref_squeeze %dma_wait3A_19 : memref<1x640x16xf32, #tpu.memory_space<hbm>> -> memref<640x16xf32, #tpu.memory_space<hbm>>
      %dma_wait3A_21 = arith.constant 0 : i32
      %dma_wait3A_22 = tpu.memref_slice %arg6[%mul3A_12, %dma_wait3A_21] : memref<10240x16xf32, #tpu.memory_space<vmem_shared>> -> memref<640x16xf32, #tpu.memory_space<vmem_shared>>
      tpu.wait_dma2 semaphore(%run_scoped3A : memref<!tpu.dma_semaphore, #tpu.memory_space<semaphore_mem>>) src(%dma_wait3A_22 : memref<640x16xf32, #tpu.memory_space<vmem_shared>>) dst(%dma_wait3A_20 : memref<640x16xf32, #tpu.memory_space<hbm>>)
      tpu.yield
    }) : () -> ()
    return
  }
}

#map = affine_map<(d0, d1) -> (0, 0, 0)>
#map1 = affine_map<(d0, d1) -> (0, 0)>
module attributes {stable_mosaic.version = 14 : i64} {
  func.func @_scatter_body(%arg0: i32, %arg1: i32, %arg2: memref<32x90x112xi32, #tpu.memory_space<hbm>>, %arg3: memref<32x90x112xi32, #tpu.memory_space<hbm>>, %arg4: memref<10000x128xf32, #tpu.memory_space<hbm>>, %arg5: memref<10240x128xf32, #tpu.memory_space<hbm>>, %arg6: memref<2x10240x128xf32, #tpu.memory_space<hbm>>, %arg7: memref<10240x128xf32, #tpu.memory_space<vmem_shared>>, %arg8: memref<90x112xi32, #tpu.memory_space<vmem>>, %arg9: memref<90x112xi32, #tpu.memory_space<vmem>>, %arg10: memref<2x112x128xf32, #tpu.memory_space<vmem>>, %arg11: memref<2x!tpu.dma_semaphore, #tpu.memory_space<semaphore_mem>>) attributes {dimension_semantics = [#tpu.dimension_semantics<core_parallel>, #tpu.dimension_semantics<subcore_parallel>], iteration_bounds = array<i64: 2, 16>, scalar_prefetch = 0 : i64, scratch_operands = 5 : i64, tpu.core_type = #tpu.core_type<sc_vector_subcore>, window_params = [{transform_indices = #map}, {transform_indices = #map}, {transform_indices = #map1}, {transform_indices = #map1}, {transform_indices = #map}]} {
    %mul3A = arith.constant 2 : i32
    %mul3A_0 = arith.muli %arg1, %mul3A : i32
    %add3A = arith.addi %mul3A_0, %arg0 : i32
    %mul3A_1 = arith.constant 640 : i32
    %mul3A_2 = arith.muli %arg1, %mul3A_1 : i32
    %mul3A_3 = arith.constant 640 : i32
    %mul3A_4 = arith.muli %arg1, %mul3A_3 : i32
    "tpu.region"() ({
      %run_scoped3A = tpu.sem_alloc : memref<!tpu.dma_semaphore, #tpu.memory_space<semaphore_mem>>
      %dma_start3A_44 = arith.constant 0 : i32
      %dma_start3A_45 = tpu.memref_slice %arg7[%mul3A_4, %dma_start3A_44] : memref<10240x128xf32, #tpu.memory_space<vmem_shared>> -> memref<640x128xf32, #tpu.memory_space<vmem_shared>>
      %dma_start3A_46 = arith.constant 0 : i32
      %dma_start3A_47 = tpu.memref_slice %arg5[%mul3A_2, %dma_start3A_46] : memref<10240x128xf32, #tpu.memory_space<hbm>> -> memref<640x128xf32, #tpu.memory_space<hbm>>
      tpu.enqueue_dma source(%dma_start3A_47 : memref<640x128xf32, #tpu.memory_space<hbm>>) target(%dma_start3A_45 : memref<640x128xf32, #tpu.memory_space<vmem_shared>>) target_semaphore(%run_scoped3A : memref<!tpu.dma_semaphore, #tpu.memory_space<semaphore_mem>>)
      %dma_wait3A = arith.constant 0 : i32
      %dma_wait3A_48 = tpu.memref_slice %arg7[%mul3A_4, %dma_wait3A] : memref<10240x128xf32, #tpu.memory_space<vmem_shared>> -> memref<640x128xf32, #tpu.memory_space<vmem_shared>>
      %dma_wait3A_49 = arith.constant 0 : i32
      %dma_wait3A_50 = tpu.memref_slice %arg5[%mul3A_2, %dma_wait3A_49] : memref<10240x128xf32, #tpu.memory_space<hbm>> -> memref<640x128xf32, #tpu.memory_space<hbm>>
      tpu.wait_dma2 semaphore(%run_scoped3A : memref<!tpu.dma_semaphore, #tpu.memory_space<semaphore_mem>>) src(%dma_wait3A_50 : memref<640x128xf32, #tpu.memory_space<hbm>>) dst(%dma_wait3A_48 : memref<640x128xf32, #tpu.memory_space<vmem_shared>>)
      tpu.yield
    }) : () -> ()
    "tpu.region"() ({
      %run_scoped3A = tpu.sem_alloc : memref<!tpu.dma_semaphore, #tpu.memory_space<semaphore_mem>>
      %dma_start3A_44 = arith.constant 0 : i32
      %dma_start3A_45 = arith.constant 0 : i32
      %dma_start3A_46 = tpu.memref_slice %arg2[%add3A, %dma_start3A_44, %dma_start3A_45] : memref<32x90x112xi32, #tpu.memory_space<hbm>> -> memref<1x90x112xi32, #tpu.memory_space<hbm>>
      %dma_start3A_47 = tpu.memref_squeeze %dma_start3A_46 : memref<1x90x112xi32, #tpu.memory_space<hbm>> -> memref<90x112xi32, #tpu.memory_space<hbm>>
      %dma_start3A_48 = arith.constant 0 : i32
      %dma_start3A_49 = arith.constant 0 : i32
      %dma_start3A_50 = tpu.memref_slice %arg2[%add3A, %dma_start3A_48, %dma_start3A_49] : memref<32x90x112xi32, #tpu.memory_space<hbm>> -> memref<1x90x112xi32, #tpu.memory_space<hbm>>
      %dma_start3A_51 = tpu.memref_squeeze %dma_start3A_50 : memref<1x90x112xi32, #tpu.memory_space<hbm>> -> memref<90x112xi32, #tpu.memory_space<hbm>>
      tpu.enqueue_dma source(%dma_start3A_51 : memref<90x112xi32, #tpu.memory_space<hbm>>) target(%arg8 : memref<90x112xi32, #tpu.memory_space<vmem>>) target_semaphore(%run_scoped3A : memref<!tpu.dma_semaphore, #tpu.memory_space<semaphore_mem>>)
      %dma_wait3A = arith.constant 0 : i32
      %dma_wait3A_52 = arith.constant 0 : i32
      %dma_wait3A_53 = tpu.memref_slice %arg2[%add3A, %dma_wait3A, %dma_wait3A_52] : memref<32x90x112xi32, #tpu.memory_space<hbm>> -> memref<1x90x112xi32, #tpu.memory_space<hbm>>
      %dma_wait3A_54 = tpu.memref_squeeze %dma_wait3A_53 : memref<1x90x112xi32, #tpu.memory_space<hbm>> -> memref<90x112xi32, #tpu.memory_space<hbm>>
      %dma_wait3A_55 = arith.constant 0 : i32
      %dma_wait3A_56 = arith.constant 0 : i32
      %dma_wait3A_57 = tpu.memref_slice %arg2[%add3A, %dma_wait3A_55, %dma_wait3A_56] : memref<32x90x112xi32, #tpu.memory_space<hbm>> -> memref<1x90x112xi32, #tpu.memory_space<hbm>>
      %dma_wait3A_58 = tpu.memref_squeeze %dma_wait3A_57 : memref<1x90x112xi32, #tpu.memory_space<hbm>> -> memref<90x112xi32, #tpu.memory_space<hbm>>
      tpu.wait_dma2 semaphore(%run_scoped3A : memref<!tpu.dma_semaphore, #tpu.memory_space<semaphore_mem>>) src(%dma_wait3A_58 : memref<90x112xi32, #tpu.memory_space<hbm>>) dst(%arg8 : memref<90x112xi32, #tpu.memory_space<vmem>>)
      tpu.yield
    }) : () -> ()
    "tpu.region"() ({
      %run_scoped3A = tpu.sem_alloc : memref<!tpu.dma_semaphore, #tpu.memory_space<semaphore_mem>>
      %dma_start3A_44 = arith.constant 0 : i32
      %dma_start3A_45 = arith.constant 0 : i32
      %dma_start3A_46 = tpu.memref_slice %arg3[%add3A, %dma_start3A_44, %dma_start3A_45] : memref<32x90x112xi32, #tpu.memory_space<hbm>> -> memref<1x90x112xi32, #tpu.memory_space<hbm>>
      %dma_start3A_47 = tpu.memref_squeeze %dma_start3A_46 : memref<1x90x112xi32, #tpu.memory_space<hbm>> -> memref<90x112xi32, #tpu.memory_space<hbm>>
      %dma_start3A_48 = arith.constant 0 : i32
      %dma_start3A_49 = arith.constant 0 : i32
      %dma_start3A_50 = tpu.memref_slice %arg3[%add3A, %dma_start3A_48, %dma_start3A_49] : memref<32x90x112xi32, #tpu.memory_space<hbm>> -> memref<1x90x112xi32, #tpu.memory_space<hbm>>
      %dma_start3A_51 = tpu.memref_squeeze %dma_start3A_50 : memref<1x90x112xi32, #tpu.memory_space<hbm>> -> memref<90x112xi32, #tpu.memory_space<hbm>>
      tpu.enqueue_dma source(%dma_start3A_51 : memref<90x112xi32, #tpu.memory_space<hbm>>) target(%arg9 : memref<90x112xi32, #tpu.memory_space<vmem>>) target_semaphore(%run_scoped3A : memref<!tpu.dma_semaphore, #tpu.memory_space<semaphore_mem>>)
      %dma_wait3A = arith.constant 0 : i32
      %dma_wait3A_52 = arith.constant 0 : i32
      %dma_wait3A_53 = tpu.memref_slice %arg3[%add3A, %dma_wait3A, %dma_wait3A_52] : memref<32x90x112xi32, #tpu.memory_space<hbm>> -> memref<1x90x112xi32, #tpu.memory_space<hbm>>
      %dma_wait3A_54 = tpu.memref_squeeze %dma_wait3A_53 : memref<1x90x112xi32, #tpu.memory_space<hbm>> -> memref<90x112xi32, #tpu.memory_space<hbm>>
      %dma_wait3A_55 = arith.constant 0 : i32
      %dma_wait3A_56 = arith.constant 0 : i32
      %dma_wait3A_57 = tpu.memref_slice %arg3[%add3A, %dma_wait3A_55, %dma_wait3A_56] : memref<32x90x112xi32, #tpu.memory_space<hbm>> -> memref<1x90x112xi32, #tpu.memory_space<hbm>>
      %dma_wait3A_58 = tpu.memref_squeeze %dma_wait3A_57 : memref<1x90x112xi32, #tpu.memory_space<hbm>> -> memref<90x112xi32, #tpu.memory_space<hbm>>
      tpu.wait_dma2 semaphore(%run_scoped3A : memref<!tpu.dma_semaphore, #tpu.memory_space<semaphore_mem>>) src(%dma_wait3A_58 : memref<90x112xi32, #tpu.memory_space<hbm>>) dst(%arg9 : memref<90x112xi32, #tpu.memory_space<vmem>>)
      tpu.yield
    }) : () -> ()
    %barrier3A = arith.constant 0 : index
    tpu.barrier barrier_id(%barrier3A)
    %dma_start3A = arith.constant 0 : i32
    %dma_start3A_5 = arith.constant 0 : i32
    %dma_start3A_6 = arith.constant 0 : i32
    %dma_start3A_7 = arith.constant 0 : i32
    %dma_start3A_8 = arith.constant 0 : i32
    %dma_start3A_9 = tpu.memref_slice %arg10[%dma_start3A_5, %dma_start3A_7, %dma_start3A_8] : memref<2x112x128xf32, #tpu.memory_space<vmem>> -> memref<1x112x128xf32, #tpu.memory_space<vmem>>
    %dma_start3A_10 = tpu.memref_squeeze %dma_start3A_9 : memref<1x112x128xf32, #tpu.memory_space<vmem>> -> memref<112x128xf32, #tpu.memory_space<vmem>>
    %dma_start3A_11 = arith.constant 0 : i32
    %dma_start3A_12 = tpu.memref_slice %arg8[%dma_start3A, %dma_start3A_11] : memref<90x112xi32, #tpu.memory_space<vmem>> -> memref<1x112xi32, #tpu.memory_space<vmem>>
    %dma_start3A_13 = tpu.memref_squeeze %dma_start3A_12 : memref<1x112xi32, #tpu.memory_space<vmem>> -> memref<112xi32, #tpu.memory_space<vmem>>
    %dma_start3A_14 = arith.constant 0 : i32
    %dma_start3A_15 = arith.constant 0 : i32
    %dma_start3A_16 = tpu.memref_slice %arg4[%dma_start3A_14, %dma_start3A_15] : memref<10000x128xf32, #tpu.memory_space<hbm>> -> memref<10000x128xf32, #tpu.memory_space<hbm>>
    %dma_start3A_17 = tpu.memref_slice %arg11[%dma_start3A_6] : memref<2x!tpu.dma_semaphore, #tpu.memory_space<semaphore_mem>> -> memref<1x!tpu.dma_semaphore, #tpu.memory_space<semaphore_mem>>
    %dma_start3A_18 = tpu.memref_squeeze %dma_start3A_17 : memref<1x!tpu.dma_semaphore, #tpu.memory_space<semaphore_mem>> -> memref<!tpu.dma_semaphore, #tpu.memory_space<semaphore_mem>>
    tpu.enqueue_indirect_dma source(%dma_start3A_16 : memref<10000x128xf32, #tpu.memory_space<hbm>>) target(%dma_start3A_10 : memref<112x128xf32, #tpu.memory_space<vmem>>) offsets(%dma_start3A_13 : memref<112xi32, #tpu.memory_space<vmem>>) semaphore(%dma_start3A_18 : memref<!tpu.dma_semaphore, #tpu.memory_space<semaphore_mem>>)
    %dma_start3A_19 = arith.constant 1 : i32
    %dma_start3A_20 = arith.constant 1 : i32
    %dma_start3A_21 = arith.constant 1 : i32
    %dma_start3A_22 = arith.constant 0 : i32
    %dma_start3A_23 = arith.constant 0 : i32
    %dma_start3A_24 = tpu.memref_slice %arg10[%dma_start3A_20, %dma_start3A_22, %dma_start3A_23] : memref<2x112x128xf32, #tpu.memory_space<vmem>> -> memref<1x112x128xf32, #tpu.memory_space<vmem>>
    %dma_start3A_25 = tpu.memref_squeeze %dma_start3A_24 : memref<1x112x128xf32, #tpu.memory_space<vmem>> -> memref<112x128xf32, #tpu.memory_space<vmem>>
    %dma_start3A_26 = arith.constant 0 : i32
    %dma_start3A_27 = tpu.memref_slice %arg8[%dma_start3A_19, %dma_start3A_26] : memref<90x112xi32, #tpu.memory_space<vmem>> -> memref<1x112xi32, #tpu.memory_space<vmem>>
    %dma_start3A_28 = tpu.memref_squeeze %dma_start3A_27 : memref<1x112xi32, #tpu.memory_space<vmem>> -> memref<112xi32, #tpu.memory_space<vmem>>
    %dma_start3A_29 = arith.constant 0 : i32
    %dma_start3A_30 = arith.constant 0 : i32
    %dma_start3A_31 = tpu.memref_slice %arg4[%dma_start3A_29, %dma_start3A_30] : memref<10000x128xf32, #tpu.memory_space<hbm>> -> memref<10000x128xf32, #tpu.memory_space<hbm>>
    %dma_start3A_32 = tpu.memref_slice %arg11[%dma_start3A_21] : memref<2x!tpu.dma_semaphore, #tpu.memory_space<semaphore_mem>> -> memref<1x!tpu.dma_semaphore, #tpu.memory_space<semaphore_mem>>
    %dma_start3A_33 = tpu.memref_squeeze %dma_start3A_32 : memref<1x!tpu.dma_semaphore, #tpu.memory_space<semaphore_mem>> -> memref<!tpu.dma_semaphore, #tpu.memory_space<semaphore_mem>>
    tpu.enqueue_indirect_dma source(%dma_start3A_31 : memref<10000x128xf32, #tpu.memory_space<hbm>>) target(%dma_start3A_25 : memref<112x128xf32, #tpu.memory_space<vmem>>) offsets(%dma_start3A_28 : memref<112xi32, #tpu.memory_space<vmem>>) semaphore(%dma_start3A_33 : memref<!tpu.dma_semaphore, #tpu.memory_space<semaphore_mem>>)
    %scan3A = arith.constant 0 : i32
    %scan3A_34 = arith.constant 0 : i32
    %scan3A_35 = arith.constant 90 : i32
    %scan3A_36 = arith.addi %scan3A_34, %scan3A_35 : i32
    %scan3A_37 = arith.constant 1 : i32
    scf.for %scan3A_44 = %scan3A_34 to %scan3A_36 step %scan3A_37  : i32 {
      %rem3A = arith.constant 2 : i32
      %rem3A_45 = arith.remsi %scan3A_44, %rem3A : i32
      %dma_wait3A = arith.constant 0 : i32
      %dma_wait3A_46 = arith.constant 0 : i32
      %dma_wait3A_47 = tpu.memref_slice %arg10[%rem3A_45, %dma_wait3A, %dma_wait3A_46] : memref<2x112x128xf32, #tpu.memory_space<vmem>> -> memref<1x112x128xf32, #tpu.memory_space<vmem>>
      %dma_wait3A_48 = tpu.memref_squeeze %dma_wait3A_47 : memref<1x112x128xf32, #tpu.memory_space<vmem>> -> memref<112x128xf32, #tpu.memory_space<vmem>>
      %dma_wait3A_49 = arith.constant 0 : i32
      %dma_wait3A_50 = tpu.memref_slice %arg8[%scan3A_44, %dma_wait3A_49] : memref<90x112xi32, #tpu.memory_space<vmem>> -> memref<1x112xi32, #tpu.memory_space<vmem>>
      %dma_wait3A_51 = tpu.memref_squeeze %dma_wait3A_50 : memref<1x112xi32, #tpu.memory_space<vmem>> -> memref<112xi32, #tpu.memory_space<vmem>>
      %dma_wait3A_52 = arith.constant 0 : i32
      %dma_wait3A_53 = arith.constant 0 : i32
      %dma_wait3A_54 = tpu.memref_slice %arg4[%dma_wait3A_52, %dma_wait3A_53] : memref<10000x128xf32, #tpu.memory_space<hbm>> -> memref<10000x128xf32, #tpu.memory_space<hbm>>
      %dma_wait3A_55 = tpu.memref_slice %arg11[%rem3A_45] : memref<2x!tpu.dma_semaphore, #tpu.memory_space<semaphore_mem>> -> memref<1x!tpu.dma_semaphore, #tpu.memory_space<semaphore_mem>>
      %dma_wait3A_56 = tpu.memref_squeeze %dma_wait3A_55 : memref<1x!tpu.dma_semaphore, #tpu.memory_space<semaphore_mem>> -> memref<!tpu.dma_semaphore, #tpu.memory_space<semaphore_mem>>
      tpu.wait_indirect_dma semaphore(%dma_wait3A_56 : memref<!tpu.dma_semaphore, #tpu.memory_space<semaphore_mem>>) src(%dma_wait3A_54 : memref<10000x128xf32, #tpu.memory_space<hbm>>) dst(%dma_wait3A_48 : memref<112x128xf32, #tpu.memory_space<vmem>>)
      "tpu.region"() ({
        %run_scoped3A = tpu.sem_alloc : memref<!tpu.dma_semaphore, #tpu.memory_space<semaphore_mem>>
        %dma_start3A_61 = arith.constant 0 : i32
        %dma_start3A_62 = arith.constant 0 : i32
        %dma_start3A_63 = tpu.memref_slice %arg10[%rem3A_45, %dma_start3A_61, %dma_start3A_62] : memref<2x112x128xf32, #tpu.memory_space<vmem>> -> memref<1x112x128xf32, #tpu.memory_space<vmem>>
        %dma_start3A_64 = tpu.memref_squeeze %dma_start3A_63 : memref<1x112x128xf32, #tpu.memory_space<vmem>> -> memref<112x128xf32, #tpu.memory_space<vmem>>
        %dma_start3A_65 = arith.constant 0 : i32
        %dma_start3A_66 = tpu.memref_slice %arg9[%scan3A_44, %dma_start3A_65] : memref<90x112xi32, #tpu.memory_space<vmem>> -> memref<1x112xi32, #tpu.memory_space<vmem>>
        %dma_start3A_67 = tpu.memref_squeeze %dma_start3A_66 : memref<1x112xi32, #tpu.memory_space<vmem>> -> memref<112xi32, #tpu.memory_space<vmem>>
        %dma_start3A_68 = arith.constant 0 : i32
        %dma_start3A_69 = arith.constant 0 : i32
        %dma_start3A_70 = tpu.memref_slice %arg7[%dma_start3A_68, %dma_start3A_69] : memref<10240x128xf32, #tpu.memory_space<vmem_shared>> -> memref<10240x128xf32, #tpu.memory_space<vmem_shared>>
        tpu.enqueue_indirect_dma source(%dma_start3A_64 : memref<112x128xf32, #tpu.memory_space<vmem>>) target(%dma_start3A_70 : memref<10240x128xf32, #tpu.memory_space<vmem_shared>>) offsets(%dma_start3A_67 : memref<112xi32, #tpu.memory_space<vmem>>) semaphore(%run_scoped3A : memref<!tpu.dma_semaphore, #tpu.memory_space<semaphore_mem>>) {add = true}
        %dma_wait3A_71 = arith.constant 0 : i32
        %dma_wait3A_72 = arith.constant 0 : i32
        %dma_wait3A_73 = tpu.memref_slice %arg10[%rem3A_45, %dma_wait3A_71, %dma_wait3A_72] : memref<2x112x128xf32, #tpu.memory_space<vmem>> -> memref<1x112x128xf32, #tpu.memory_space<vmem>>
        %dma_wait3A_74 = tpu.memref_squeeze %dma_wait3A_73 : memref<1x112x128xf32, #tpu.memory_space<vmem>> -> memref<112x128xf32, #tpu.memory_space<vmem>>
        %dma_wait3A_75 = arith.constant 0 : i32
        %dma_wait3A_76 = tpu.memref_slice %arg9[%scan3A_44, %dma_wait3A_75] : memref<90x112xi32, #tpu.memory_space<vmem>> -> memref<1x112xi32, #tpu.memory_space<vmem>>
        %dma_wait3A_77 = tpu.memref_squeeze %dma_wait3A_76 : memref<1x112xi32, #tpu.memory_space<vmem>> -> memref<112xi32, #tpu.memory_space<vmem>>
        %dma_wait3A_78 = arith.constant 0 : i32
        %dma_wait3A_79 = arith.constant 0 : i32
        %dma_wait3A_80 = tpu.memref_slice %arg7[%dma_wait3A_78, %dma_wait3A_79] : memref<10240x128xf32, #tpu.memory_space<vmem_shared>> -> memref<10240x128xf32, #tpu.memory_space<vmem_shared>>
        tpu.wait_indirect_dma semaphore(%run_scoped3A : memref<!tpu.dma_semaphore, #tpu.memory_space<semaphore_mem>>) src(%dma_wait3A_74 : memref<112x128xf32, #tpu.memory_space<vmem>>) dst(%dma_wait3A_80 : memref<10240x128xf32, #tpu.memory_space<vmem_shared>>)
        tpu.yield
      }) : () -> ()
      %add3A_57 = arith.constant 2 : i32
      %add3A_58 = arith.addi %scan3A_44, %add3A_57 : i32
      %lt3A = arith.constant 90 : i32
      %lt3A_59 = arith.cmpi slt, %add3A_58, %lt3A : i32
      %convert_element_type3A = arith.extui %lt3A_59 : i1 to i32
      %cond3A = arith.constant 0 : i32
      %cond3A_60 = arith.cmpi ne, %convert_element_type3A, %cond3A : i32
      scf.if %cond3A_60 {
        %add3A_61 = arith.constant 2 : i32
        %add3A_62 = arith.addi %scan3A_44, %add3A_61 : i32
        %dma_start3A_63 = arith.constant 0 : i32
        %dma_start3A_64 = arith.constant 0 : i32
        %dma_start3A_65 = tpu.memref_slice %arg10[%rem3A_45, %dma_start3A_63, %dma_start3A_64] : memref<2x112x128xf32, #tpu.memory_space<vmem>> -> memref<1x112x128xf32, #tpu.memory_space<vmem>>
        %dma_start3A_66 = tpu.memref_squeeze %dma_start3A_65 : memref<1x112x128xf32, #tpu.memory_space<vmem>> -> memref<112x128xf32, #tpu.memory_space<vmem>>
        %dma_start3A_67 = arith.constant 0 : i32
        %dma_start3A_68 = tpu.memref_slice %arg8[%add3A_62, %dma_start3A_67] : memref<90x112xi32, #tpu.memory_space<vmem>> -> memref<1x112xi32, #tpu.memory_space<vmem>>
        %dma_start3A_69 = tpu.memref_squeeze %dma_start3A_68 : memref<1x112xi32, #tpu.memory_space<vmem>> -> memref<112xi32, #tpu.memory_space<vmem>>
        %dma_start3A_70 = arith.constant 0 : i32
        %dma_start3A_71 = arith.constant 0 : i32
        %dma_start3A_72 = tpu.memref_slice %arg4[%dma_start3A_70, %dma_start3A_71] : memref<10000x128xf32, #tpu.memory_space<hbm>> -> memref<10000x128xf32, #tpu.memory_space<hbm>>
        %dma_start3A_73 = tpu.memref_slice %arg11[%rem3A_45] : memref<2x!tpu.dma_semaphore, #tpu.memory_space<semaphore_mem>> -> memref<1x!tpu.dma_semaphore, #tpu.memory_space<semaphore_mem>>
        %dma_start3A_74 = tpu.memref_squeeze %dma_start3A_73 : memref<1x!tpu.dma_semaphore, #tpu.memory_space<semaphore_mem>> -> memref<!tpu.dma_semaphore, #tpu.memory_space<semaphore_mem>>
        tpu.enqueue_indirect_dma source(%dma_start3A_72 : memref<10000x128xf32, #tpu.memory_space<hbm>>) target(%dma_start3A_66 : memref<112x128xf32, #tpu.memory_space<vmem>>) offsets(%dma_start3A_69 : memref<112xi32, #tpu.memory_space<vmem>>) semaphore(%dma_start3A_74 : memref<!tpu.dma_semaphore, #tpu.memory_space<semaphore_mem>>)
      } else {
      }
    }
    %scan3A_38 = arith.constant 90 : i32
    %barrier3A_39 = arith.constant 0 : index
    tpu.barrier barrier_id(%barrier3A_39)
    %mul3A_40 = arith.constant 640 : i32
    %mul3A_41 = arith.muli %arg1, %mul3A_40 : i32
    %mul3A_42 = arith.constant 640 : i32
    %mul3A_43 = arith.muli %arg1, %mul3A_42 : i32
    "tpu.region"() ({
      %run_scoped3A = tpu.sem_alloc : memref<!tpu.dma_semaphore, #tpu.memory_space<semaphore_mem>>
      %dma_start3A_44 = arith.constant 0 : i32
      %dma_start3A_45 = tpu.memref_slice %arg6[%arg0, %mul3A_43, %dma_start3A_44] : memref<2x10240x128xf32, #tpu.memory_space<hbm>> -> memref<1x640x128xf32, #tpu.memory_space<hbm>>
      %dma_start3A_46 = tpu.memref_squeeze %dma_start3A_45 : memref<1x640x128xf32, #tpu.memory_space<hbm>> -> memref<640x128xf32, #tpu.memory_space<hbm>>
      %dma_start3A_47 = arith.constant 0 : i32
      %dma_start3A_48 = tpu.memref_slice %arg7[%mul3A_41, %dma_start3A_47] : memref<10240x128xf32, #tpu.memory_space<vmem_shared>> -> memref<640x128xf32, #tpu.memory_space<vmem_shared>>
      tpu.enqueue_dma source(%dma_start3A_48 : memref<640x128xf32, #tpu.memory_space<vmem_shared>>) target(%dma_start3A_46 : memref<640x128xf32, #tpu.memory_space<hbm>>) target_semaphore(%run_scoped3A : memref<!tpu.dma_semaphore, #tpu.memory_space<semaphore_mem>>)
      %dma_wait3A = arith.constant 0 : i32
      %dma_wait3A_49 = tpu.memref_slice %arg6[%arg0, %mul3A_43, %dma_wait3A] : memref<2x10240x128xf32, #tpu.memory_space<hbm>> -> memref<1x640x128xf32, #tpu.memory_space<hbm>>
      %dma_wait3A_50 = tpu.memref_squeeze %dma_wait3A_49 : memref<1x640x128xf32, #tpu.memory_space<hbm>> -> memref<640x128xf32, #tpu.memory_space<hbm>>
      %dma_wait3A_51 = arith.constant 0 : i32
      %dma_wait3A_52 = tpu.memref_slice %arg7[%mul3A_41, %dma_wait3A_51] : memref<10240x128xf32, #tpu.memory_space<vmem_shared>> -> memref<640x128xf32, #tpu.memory_space<vmem_shared>>
      tpu.wait_dma2 semaphore(%run_scoped3A : memref<!tpu.dma_semaphore, #tpu.memory_space<semaphore_mem>>) src(%dma_wait3A_52 : memref<640x128xf32, #tpu.memory_space<vmem_shared>>) dst(%dma_wait3A_50 : memref<640x128xf32, #tpu.memory_space<hbm>>)
      tpu.yield
    }) : () -> ()
    return
  }
}

#map = affine_map<(d0, d1) -> (0, 0, 0)>
#map1 = affine_map<(d0, d1) -> (0, 0)>
module attributes {stable_mosaic.version = 14 : i64} {
  func.func @_scatter_body(%arg0: i32, %arg1: i32, %arg2: memref<32x90x112xi32, #tpu.memory_space<hbm>>, %arg3: memref<32x90x112xi32, #tpu.memory_space<hbm>>, %arg4: memref<10000x64xf32, #tpu.memory_space<hbm>>, %arg5: memref<10240x64xf32, #tpu.memory_space<hbm>>, %arg6: memref<2x10240x64xf32, #tpu.memory_space<hbm>>, %arg7: memref<10240x64xf32, #tpu.memory_space<vmem_shared>>, %arg8: memref<90x112xi32, #tpu.memory_space<vmem>>, %arg9: memref<90x112xi32, #tpu.memory_space<vmem>>, %arg10: memref<2x112x64xf32, #tpu.memory_space<vmem>>, %arg11: memref<2x!tpu.dma_semaphore, #tpu.memory_space<semaphore_mem>>) attributes {dimension_semantics = [#tpu.dimension_semantics<core_parallel>, #tpu.dimension_semantics<subcore_parallel>], iteration_bounds = array<i64: 2, 16>, scalar_prefetch = 0 : i64, scratch_operands = 5 : i64, tpu.core_type = #tpu.core_type<sc_vector_subcore>, window_params = [{transform_indices = #map}, {transform_indices = #map}, {transform_indices = #map1}, {transform_indices = #map1}, {transform_indices = #map}]} {
    %mul3A = arith.constant 2 : i32
    %mul3A_0 = arith.muli %arg1, %mul3A : i32
    %add3A = arith.addi %mul3A_0, %arg0 : i32
    %mul3A_1 = arith.constant 640 : i32
    %mul3A_2 = arith.muli %arg1, %mul3A_1 : i32
    %mul3A_3 = arith.constant 640 : i32
    %mul3A_4 = arith.muli %arg1, %mul3A_3 : i32
    "tpu.region"() ({
      %run_scoped3A = tpu.sem_alloc : memref<!tpu.dma_semaphore, #tpu.memory_space<semaphore_mem>>
      %dma_start3A_44 = arith.constant 0 : i32
      %dma_start3A_45 = tpu.memref_slice %arg7[%mul3A_4, %dma_start3A_44] : memref<10240x64xf32, #tpu.memory_space<vmem_shared>> -> memref<640x64xf32, #tpu.memory_space<vmem_shared>>
      %dma_start3A_46 = arith.constant 0 : i32
      %dma_start3A_47 = tpu.memref_slice %arg5[%mul3A_2, %dma_start3A_46] : memref<10240x64xf32, #tpu.memory_space<hbm>> -> memref<640x64xf32, #tpu.memory_space<hbm>>
      tpu.enqueue_dma source(%dma_start3A_47 : memref<640x64xf32, #tpu.memory_space<hbm>>) target(%dma_start3A_45 : memref<640x64xf32, #tpu.memory_space<vmem_shared>>) target_semaphore(%run_scoped3A : memref<!tpu.dma_semaphore, #tpu.memory_space<semaphore_mem>>)
      %dma_wait3A = arith.constant 0 : i32
      %dma_wait3A_48 = tpu.memref_slice %arg7[%mul3A_4, %dma_wait3A] : memref<10240x64xf32, #tpu.memory_space<vmem_shared>> -> memref<640x64xf32, #tpu.memory_space<vmem_shared>>
      %dma_wait3A_49 = arith.constant 0 : i32
      %dma_wait3A_50 = tpu.memref_slice %arg5[%mul3A_2, %dma_wait3A_49] : memref<10240x64xf32, #tpu.memory_space<hbm>> -> memref<640x64xf32, #tpu.memory_space<hbm>>
      tpu.wait_dma2 semaphore(%run_scoped3A : memref<!tpu.dma_semaphore, #tpu.memory_space<semaphore_mem>>) src(%dma_wait3A_50 : memref<640x64xf32, #tpu.memory_space<hbm>>) dst(%dma_wait3A_48 : memref<640x64xf32, #tpu.memory_space<vmem_shared>>)
      tpu.yield
    }) : () -> ()
    "tpu.region"() ({
      %run_scoped3A = tpu.sem_alloc : memref<!tpu.dma_semaphore, #tpu.memory_space<semaphore_mem>>
      %dma_start3A_44 = arith.constant 0 : i32
      %dma_start3A_45 = arith.constant 0 : i32
      %dma_start3A_46 = tpu.memref_slice %arg2[%add3A, %dma_start3A_44, %dma_start3A_45] : memref<32x90x112xi32, #tpu.memory_space<hbm>> -> memref<1x90x112xi32, #tpu.memory_space<hbm>>
      %dma_start3A_47 = tpu.memref_squeeze %dma_start3A_46 : memref<1x90x112xi32, #tpu.memory_space<hbm>> -> memref<90x112xi32, #tpu.memory_space<hbm>>
      %dma_start3A_48 = arith.constant 0 : i32
      %dma_start3A_49 = arith.constant 0 : i32
      %dma_start3A_50 = tpu.memref_slice %arg2[%add3A, %dma_start3A_48, %dma_start3A_49] : memref<32x90x112xi32, #tpu.memory_space<hbm>> -> memref<1x90x112xi32, #tpu.memory_space<hbm>>
      %dma_start3A_51 = tpu.memref_squeeze %dma_start3A_50 : memref<1x90x112xi32, #tpu.memory_space<hbm>> -> memref<90x112xi32, #tpu.memory_space<hbm>>
      tpu.enqueue_dma source(%dma_start3A_51 : memref<90x112xi32, #tpu.memory_space<hbm>>) target(%arg8 : memref<90x112xi32, #tpu.memory_space<vmem>>) target_semaphore(%run_scoped3A : memref<!tpu.dma_semaphore, #tpu.memory_space<semaphore_mem>>)
      %dma_wait3A = arith.constant 0 : i32
      %dma_wait3A_52 = arith.constant 0 : i32
      %dma_wait3A_53 = tpu.memref_slice %arg2[%add3A, %dma_wait3A, %dma_wait3A_52] : memref<32x90x112xi32, #tpu.memory_space<hbm>> -> memref<1x90x112xi32, #tpu.memory_space<hbm>>
      %dma_wait3A_54 = tpu.memref_squeeze %dma_wait3A_53 : memref<1x90x112xi32, #tpu.memory_space<hbm>> -> memref<90x112xi32, #tpu.memory_space<hbm>>
      %dma_wait3A_55 = arith.constant 0 : i32
      %dma_wait3A_56 = arith.constant 0 : i32
      %dma_wait3A_57 = tpu.memref_slice %arg2[%add3A, %dma_wait3A_55, %dma_wait3A_56] : memref<32x90x112xi32, #tpu.memory_space<hbm>> -> memref<1x90x112xi32, #tpu.memory_space<hbm>>
      %dma_wait3A_58 = tpu.memref_squeeze %dma_wait3A_57 : memref<1x90x112xi32, #tpu.memory_space<hbm>> -> memref<90x112xi32, #tpu.memory_space<hbm>>
      tpu.wait_dma2 semaphore(%run_scoped3A : memref<!tpu.dma_semaphore, #tpu.memory_space<semaphore_mem>>) src(%dma_wait3A_58 : memref<90x112xi32, #tpu.memory_space<hbm>>) dst(%arg8 : memref<90x112xi32, #tpu.memory_space<vmem>>)
      tpu.yield
    }) : () -> ()
    "tpu.region"() ({
      %run_scoped3A = tpu.sem_alloc : memref<!tpu.dma_semaphore, #tpu.memory_space<semaphore_mem>>
      %dma_start3A_44 = arith.constant 0 : i32
      %dma_start3A_45 = arith.constant 0 : i32
      %dma_start3A_46 = tpu.memref_slice %arg3[%add3A, %dma_start3A_44, %dma_start3A_45] : memref<32x90x112xi32, #tpu.memory_space<hbm>> -> memref<1x90x112xi32, #tpu.memory_space<hbm>>
      %dma_start3A_47 = tpu.memref_squeeze %dma_start3A_46 : memref<1x90x112xi32, #tpu.memory_space<hbm>> -> memref<90x112xi32, #tpu.memory_space<hbm>>
      %dma_start3A_48 = arith.constant 0 : i32
      %dma_start3A_49 = arith.constant 0 : i32
      %dma_start3A_50 = tpu.memref_slice %arg3[%add3A, %dma_start3A_48, %dma_start3A_49] : memref<32x90x112xi32, #tpu.memory_space<hbm>> -> memref<1x90x112xi32, #tpu.memory_space<hbm>>
      %dma_start3A_51 = tpu.memref_squeeze %dma_start3A_50 : memref<1x90x112xi32, #tpu.memory_space<hbm>> -> memref<90x112xi32, #tpu.memory_space<hbm>>
      tpu.enqueue_dma source(%dma_start3A_51 : memref<90x112xi32, #tpu.memory_space<hbm>>) target(%arg9 : memref<90x112xi32, #tpu.memory_space<vmem>>) target_semaphore(%run_scoped3A : memref<!tpu.dma_semaphore, #tpu.memory_space<semaphore_mem>>)
      %dma_wait3A = arith.constant 0 : i32
      %dma_wait3A_52 = arith.constant 0 : i32
      %dma_wait3A_53 = tpu.memref_slice %arg3[%add3A, %dma_wait3A, %dma_wait3A_52] : memref<32x90x112xi32, #tpu.memory_space<hbm>> -> memref<1x90x112xi32, #tpu.memory_space<hbm>>
      %dma_wait3A_54 = tpu.memref_squeeze %dma_wait3A_53 : memref<1x90x112xi32, #tpu.memory_space<hbm>> -> memref<90x112xi32, #tpu.memory_space<hbm>>
      %dma_wait3A_55 = arith.constant 0 : i32
      %dma_wait3A_56 = arith.constant 0 : i32
      %dma_wait3A_57 = tpu.memref_slice %arg3[%add3A, %dma_wait3A_55, %dma_wait3A_56] : memref<32x90x112xi32, #tpu.memory_space<hbm>> -> memref<1x90x112xi32, #tpu.memory_space<hbm>>
      %dma_wait3A_58 = tpu.memref_squeeze %dma_wait3A_57 : memref<1x90x112xi32, #tpu.memory_space<hbm>> -> memref<90x112xi32, #tpu.memory_space<hbm>>
      tpu.wait_dma2 semaphore(%run_scoped3A : memref<!tpu.dma_semaphore, #tpu.memory_space<semaphore_mem>>) src(%dma_wait3A_58 : memref<90x112xi32, #tpu.memory_space<hbm>>) dst(%arg9 : memref<90x112xi32, #tpu.memory_space<vmem>>)
      tpu.yield
    }) : () -> ()
    %barrier3A = arith.constant 0 : index
    tpu.barrier barrier_id(%barrier3A)
    %dma_start3A = arith.constant 0 : i32
    %dma_start3A_5 = arith.constant 0 : i32
    %dma_start3A_6 = arith.constant 0 : i32
    %dma_start3A_7 = arith.constant 0 : i32
    %dma_start3A_8 = arith.constant 0 : i32
    %dma_start3A_9 = tpu.memref_slice %arg10[%dma_start3A_5, %dma_start3A_7, %dma_start3A_8] : memref<2x112x64xf32, #tpu.memory_space<vmem>> -> memref<1x112x64xf32, #tpu.memory_space<vmem>>
    %dma_start3A_10 = tpu.memref_squeeze %dma_start3A_9 : memref<1x112x64xf32, #tpu.memory_space<vmem>> -> memref<112x64xf32, #tpu.memory_space<vmem>>
    %dma_start3A_11 = arith.constant 0 : i32
    %dma_start3A_12 = tpu.memref_slice %arg8[%dma_start3A, %dma_start3A_11] : memref<90x112xi32, #tpu.memory_space<vmem>> -> memref<1x112xi32, #tpu.memory_space<vmem>>
    %dma_start3A_13 = tpu.memref_squeeze %dma_start3A_12 : memref<1x112xi32, #tpu.memory_space<vmem>> -> memref<112xi32, #tpu.memory_space<vmem>>
    %dma_start3A_14 = arith.constant 0 : i32
    %dma_start3A_15 = arith.constant 0 : i32
    %dma_start3A_16 = tpu.memref_slice %arg4[%dma_start3A_14, %dma_start3A_15] : memref<10000x64xf32, #tpu.memory_space<hbm>> -> memref<10000x64xf32, #tpu.memory_space<hbm>>
    %dma_start3A_17 = tpu.memref_slice %arg11[%dma_start3A_6] : memref<2x!tpu.dma_semaphore, #tpu.memory_space<semaphore_mem>> -> memref<1x!tpu.dma_semaphore, #tpu.memory_space<semaphore_mem>>
    %dma_start3A_18 = tpu.memref_squeeze %dma_start3A_17 : memref<1x!tpu.dma_semaphore, #tpu.memory_space<semaphore_mem>> -> memref<!tpu.dma_semaphore, #tpu.memory_space<semaphore_mem>>
    tpu.enqueue_indirect_dma source(%dma_start3A_16 : memref<10000x64xf32, #tpu.memory_space<hbm>>) target(%dma_start3A_10 : memref<112x64xf32, #tpu.memory_space<vmem>>) offsets(%dma_start3A_13 : memref<112xi32, #tpu.memory_space<vmem>>) semaphore(%dma_start3A_18 : memref<!tpu.dma_semaphore, #tpu.memory_space<semaphore_mem>>)
    %dma_start3A_19 = arith.constant 1 : i32
    %dma_start3A_20 = arith.constant 1 : i32
    %dma_start3A_21 = arith.constant 1 : i32
    %dma_start3A_22 = arith.constant 0 : i32
    %dma_start3A_23 = arith.constant 0 : i32
    %dma_start3A_24 = tpu.memref_slice %arg10[%dma_start3A_20, %dma_start3A_22, %dma_start3A_23] : memref<2x112x64xf32, #tpu.memory_space<vmem>> -> memref<1x112x64xf32, #tpu.memory_space<vmem>>
    %dma_start3A_25 = tpu.memref_squeeze %dma_start3A_24 : memref<1x112x64xf32, #tpu.memory_space<vmem>> -> memref<112x64xf32, #tpu.memory_space<vmem>>
    %dma_start3A_26 = arith.constant 0 : i32
    %dma_start3A_27 = tpu.memref_slice %arg8[%dma_start3A_19, %dma_start3A_26] : memref<90x112xi32, #tpu.memory_space<vmem>> -> memref<1x112xi32, #tpu.memory_space<vmem>>
    %dma_start3A_28 = tpu.memref_squeeze %dma_start3A_27 : memref<1x112xi32, #tpu.memory_space<vmem>> -> memref<112xi32, #tpu.memory_space<vmem>>
    %dma_start3A_29 = arith.constant 0 : i32
    %dma_start3A_30 = arith.constant 0 : i32
    %dma_start3A_31 = tpu.memref_slice %arg4[%dma_start3A_29, %dma_start3A_30] : memref<10000x64xf32, #tpu.memory_space<hbm>> -> memref<10000x64xf32, #tpu.memory_space<hbm>>
    %dma_start3A_32 = tpu.memref_slice %arg11[%dma_start3A_21] : memref<2x!tpu.dma_semaphore, #tpu.memory_space<semaphore_mem>> -> memref<1x!tpu.dma_semaphore, #tpu.memory_space<semaphore_mem>>
    %dma_start3A_33 = tpu.memref_squeeze %dma_start3A_32 : memref<1x!tpu.dma_semaphore, #tpu.memory_space<semaphore_mem>> -> memref<!tpu.dma_semaphore, #tpu.memory_space<semaphore_mem>>
    tpu.enqueue_indirect_dma source(%dma_start3A_31 : memref<10000x64xf32, #tpu.memory_space<hbm>>) target(%dma_start3A_25 : memref<112x64xf32, #tpu.memory_space<vmem>>) offsets(%dma_start3A_28 : memref<112xi32, #tpu.memory_space<vmem>>) semaphore(%dma_start3A_33 : memref<!tpu.dma_semaphore, #tpu.memory_space<semaphore_mem>>)
    %scan3A = arith.constant 0 : i32
    %scan3A_34 = arith.constant 0 : i32
    %scan3A_35 = arith.constant 90 : i32
    %scan3A_36 = arith.addi %scan3A_34, %scan3A_35 : i32
    %scan3A_37 = arith.constant 1 : i32
    scf.for %scan3A_44 = %scan3A_34 to %scan3A_36 step %scan3A_37  : i32 {
      %rem3A = arith.constant 2 : i32
      %rem3A_45 = arith.remsi %scan3A_44, %rem3A : i32
      %dma_wait3A = arith.constant 0 : i32
      %dma_wait3A_46 = arith.constant 0 : i32
      %dma_wait3A_47 = tpu.memref_slice %arg10[%rem3A_45, %dma_wait3A, %dma_wait3A_46] : memref<2x112x64xf32, #tpu.memory_space<vmem>> -> memref<1x112x64xf32, #tpu.memory_space<vmem>>
      %dma_wait3A_48 = tpu.memref_squeeze %dma_wait3A_47 : memref<1x112x64xf32, #tpu.memory_space<vmem>> -> memref<112x64xf32, #tpu.memory_space<vmem>>
      %dma_wait3A_49 = arith.constant 0 : i32
      %dma_wait3A_50 = tpu.memref_slice %arg8[%scan3A_44, %dma_wait3A_49] : memref<90x112xi32, #tpu.memory_space<vmem>> -> memref<1x112xi32, #tpu.memory_space<vmem>>
      %dma_wait3A_51 = tpu.memref_squeeze %dma_wait3A_50 : memref<1x112xi32, #tpu.memory_space<vmem>> -> memref<112xi32, #tpu.memory_space<vmem>>
      %dma_wait3A_52 = arith.constant 0 : i32
      %dma_wait3A_53 = arith.constant 0 : i32
      %dma_wait3A_54 = tpu.memref_slice %arg4[%dma_wait3A_52, %dma_wait3A_53] : memref<10000x64xf32, #tpu.memory_space<hbm>> -> memref<10000x64xf32, #tpu.memory_space<hbm>>
      %dma_wait3A_55 = tpu.memref_slice %arg11[%rem3A_45] : memref<2x!tpu.dma_semaphore, #tpu.memory_space<semaphore_mem>> -> memref<1x!tpu.dma_semaphore, #tpu.memory_space<semaphore_mem>>
      %dma_wait3A_56 = tpu.memref_squeeze %dma_wait3A_55 : memref<1x!tpu.dma_semaphore, #tpu.memory_space<semaphore_mem>> -> memref<!tpu.dma_semaphore, #tpu.memory_space<semaphore_mem>>
      tpu.wait_indirect_dma semaphore(%dma_wait3A_56 : memref<!tpu.dma_semaphore, #tpu.memory_space<semaphore_mem>>) src(%dma_wait3A_54 : memref<10000x64xf32, #tpu.memory_space<hbm>>) dst(%dma_wait3A_48 : memref<112x64xf32, #tpu.memory_space<vmem>>)
      "tpu.region"() ({
        %run_scoped3A = tpu.sem_alloc : memref<!tpu.dma_semaphore, #tpu.memory_space<semaphore_mem>>
        %dma_start3A_61 = arith.constant 0 : i32
        %dma_start3A_62 = arith.constant 0 : i32
        %dma_start3A_63 = tpu.memref_slice %arg10[%rem3A_45, %dma_start3A_61, %dma_start3A_62] : memref<2x112x64xf32, #tpu.memory_space<vmem>> -> memref<1x112x64xf32, #tpu.memory_space<vmem>>
        %dma_start3A_64 = tpu.memref_squeeze %dma_start3A_63 : memref<1x112x64xf32, #tpu.memory_space<vmem>> -> memref<112x64xf32, #tpu.memory_space<vmem>>
        %dma_start3A_65 = arith.constant 0 : i32
        %dma_start3A_66 = tpu.memref_slice %arg9[%scan3A_44, %dma_start3A_65] : memref<90x112xi32, #tpu.memory_space<vmem>> -> memref<1x112xi32, #tpu.memory_space<vmem>>
        %dma_start3A_67 = tpu.memref_squeeze %dma_start3A_66 : memref<1x112xi32, #tpu.memory_space<vmem>> -> memref<112xi32, #tpu.memory_space<vmem>>
        %dma_start3A_68 = arith.constant 0 : i32
        %dma_start3A_69 = arith.constant 0 : i32
        %dma_start3A_70 = tpu.memref_slice %arg7[%dma_start3A_68, %dma_start3A_69] : memref<10240x64xf32, #tpu.memory_space<vmem_shared>> -> memref<10240x64xf32, #tpu.memory_space<vmem_shared>>
        tpu.enqueue_indirect_dma source(%dma_start3A_64 : memref<112x64xf32, #tpu.memory_space<vmem>>) target(%dma_start3A_70 : memref<10240x64xf32, #tpu.memory_space<vmem_shared>>) offsets(%dma_start3A_67 : memref<112xi32, #tpu.memory_space<vmem>>) semaphore(%run_scoped3A : memref<!tpu.dma_semaphore, #tpu.memory_space<semaphore_mem>>) {add = true}
        %dma_wait3A_71 = arith.constant 0 : i32
        %dma_wait3A_72 = arith.constant 0 : i32
        %dma_wait3A_73 = tpu.memref_slice %arg10[%rem3A_45, %dma_wait3A_71, %dma_wait3A_72] : memref<2x112x64xf32, #tpu.memory_space<vmem>> -> memref<1x112x64xf32, #tpu.memory_space<vmem>>
        %dma_wait3A_74 = tpu.memref_squeeze %dma_wait3A_73 : memref<1x112x64xf32, #tpu.memory_space<vmem>> -> memref<112x64xf32, #tpu.memory_space<vmem>>
        %dma_wait3A_75 = arith.constant 0 : i32
        %dma_wait3A_76 = tpu.memref_slice %arg9[%scan3A_44, %dma_wait3A_75] : memref<90x112xi32, #tpu.memory_space<vmem>> -> memref<1x112xi32, #tpu.memory_space<vmem>>
        %dma_wait3A_77 = tpu.memref_squeeze %dma_wait3A_76 : memref<1x112xi32, #tpu.memory_space<vmem>> -> memref<112xi32, #tpu.memory_space<vmem>>
        %dma_wait3A_78 = arith.constant 0 : i32
        %dma_wait3A_79 = arith.constant 0 : i32
        %dma_wait3A_80 = tpu.memref_slice %arg7[%dma_wait3A_78, %dma_wait3A_79] : memref<10240x64xf32, #tpu.memory_space<vmem_shared>> -> memref<10240x64xf32, #tpu.memory_space<vmem_shared>>
        tpu.wait_indirect_dma semaphore(%run_scoped3A : memref<!tpu.dma_semaphore, #tpu.memory_space<semaphore_mem>>) src(%dma_wait3A_74 : memref<112x64xf32, #tpu.memory_space<vmem>>) dst(%dma_wait3A_80 : memref<10240x64xf32, #tpu.memory_space<vmem_shared>>)
        tpu.yield
      }) : () -> ()
      %add3A_57 = arith.constant 2 : i32
      %add3A_58 = arith.addi %scan3A_44, %add3A_57 : i32
      %lt3A = arith.constant 90 : i32
      %lt3A_59 = arith.cmpi slt, %add3A_58, %lt3A : i32
      %convert_element_type3A = arith.extui %lt3A_59 : i1 to i32
      %cond3A = arith.constant 0 : i32
      %cond3A_60 = arith.cmpi ne, %convert_element_type3A, %cond3A : i32
      scf.if %cond3A_60 {
        %add3A_61 = arith.constant 2 : i32
        %add3A_62 = arith.addi %scan3A_44, %add3A_61 : i32
        %dma_start3A_63 = arith.constant 0 : i32
        %dma_start3A_64 = arith.constant 0 : i32
        %dma_start3A_65 = tpu.memref_slice %arg10[%rem3A_45, %dma_start3A_63, %dma_start3A_64] : memref<2x112x64xf32, #tpu.memory_space<vmem>> -> memref<1x112x64xf32, #tpu.memory_space<vmem>>
        %dma_start3A_66 = tpu.memref_squeeze %dma_start3A_65 : memref<1x112x64xf32, #tpu.memory_space<vmem>> -> memref<112x64xf32, #tpu.memory_space<vmem>>
        %dma_start3A_67 = arith.constant 0 : i32
        %dma_start3A_68 = tpu.memref_slice %arg8[%add3A_62, %dma_start3A_67] : memref<90x112xi32, #tpu.memory_space<vmem>> -> memref<1x112xi32, #tpu.memory_space<vmem>>
        %dma_start3A_69 = tpu.memref_squeeze %dma_start3A_68 : memref<1x112xi32, #tpu.memory_space<vmem>> -> memref<112xi32, #tpu.memory_space<vmem>>
        %dma_start3A_70 = arith.constant 0 : i32
        %dma_start3A_71 = arith.constant 0 : i32
        %dma_start3A_72 = tpu.memref_slice %arg4[%dma_start3A_70, %dma_start3A_71] : memref<10000x64xf32, #tpu.memory_space<hbm>> -> memref<10000x64xf32, #tpu.memory_space<hbm>>
        %dma_start3A_73 = tpu.memref_slice %arg11[%rem3A_45] : memref<2x!tpu.dma_semaphore, #tpu.memory_space<semaphore_mem>> -> memref<1x!tpu.dma_semaphore, #tpu.memory_space<semaphore_mem>>
        %dma_start3A_74 = tpu.memref_squeeze %dma_start3A_73 : memref<1x!tpu.dma_semaphore, #tpu.memory_space<semaphore_mem>> -> memref<!tpu.dma_semaphore, #tpu.memory_space<semaphore_mem>>
        tpu.enqueue_indirect_dma source(%dma_start3A_72 : memref<10000x64xf32, #tpu.memory_space<hbm>>) target(%dma_start3A_66 : memref<112x64xf32, #tpu.memory_space<vmem>>) offsets(%dma_start3A_69 : memref<112xi32, #tpu.memory_space<vmem>>) semaphore(%dma_start3A_74 : memref<!tpu.dma_semaphore, #tpu.memory_space<semaphore_mem>>)
      } else {
      }
    }
    %scan3A_38 = arith.constant 90 : i32
    %barrier3A_39 = arith.constant 0 : index
    tpu.barrier barrier_id(%barrier3A_39)
    %mul3A_40 = arith.constant 640 : i32
    %mul3A_41 = arith.muli %arg1, %mul3A_40 : i32
    %mul3A_42 = arith.constant 640 : i32
    %mul3A_43 = arith.muli %arg1, %mul3A_42 : i32
    "tpu.region"() ({
      %run_scoped3A = tpu.sem_alloc : memref<!tpu.dma_semaphore, #tpu.memory_space<semaphore_mem>>
      %dma_start3A_44 = arith.constant 0 : i32
      %dma_start3A_45 = tpu.memref_slice %arg6[%arg0, %mul3A_43, %dma_start3A_44] : memref<2x10240x64xf32, #tpu.memory_space<hbm>> -> memref<1x640x64xf32, #tpu.memory_space<hbm>>
      %dma_start3A_46 = tpu.memref_squeeze %dma_start3A_45 : memref<1x640x64xf32, #tpu.memory_space<hbm>> -> memref<640x64xf32, #tpu.memory_space<hbm>>
      %dma_start3A_47 = arith.constant 0 : i32
      %dma_start3A_48 = tpu.memref_slice %arg7[%mul3A_41, %dma_start3A_47] : memref<10240x64xf32, #tpu.memory_space<vmem_shared>> -> memref<640x64xf32, #tpu.memory_space<vmem_shared>>
      tpu.enqueue_dma source(%dma_start3A_48 : memref<640x64xf32, #tpu.memory_space<vmem_shared>>) target(%dma_start3A_46 : memref<640x64xf32, #tpu.memory_space<hbm>>) target_semaphore(%run_scoped3A : memref<!tpu.dma_semaphore, #tpu.memory_space<semaphore_mem>>)
      %dma_wait3A = arith.constant 0 : i32
      %dma_wait3A_49 = tpu.memref_slice %arg6[%arg0, %mul3A_43, %dma_wait3A] : memref<2x10240x64xf32, #tpu.memory_space<hbm>> -> memref<1x640x64xf32, #tpu.memory_space<hbm>>
      %dma_wait3A_50 = tpu.memref_squeeze %dma_wait3A_49 : memref<1x640x64xf32, #tpu.memory_space<hbm>> -> memref<640x64xf32, #tpu.memory_space<hbm>>
      %dma_wait3A_51 = arith.constant 0 : i32
      %dma_wait3A_52 = tpu.memref_slice %arg7[%mul3A_41, %dma_wait3A_51] : memref<10240x64xf32, #tpu.memory_space<vmem_shared>> -> memref<640x64xf32, #tpu.memory_space<vmem_shared>>
      tpu.wait_dma2 semaphore(%run_scoped3A : memref<!tpu.dma_semaphore, #tpu.memory_space<semaphore_mem>>) src(%dma_wait3A_52 : memref<640x64xf32, #tpu.memory_space<vmem_shared>>) dst(%dma_wait3A_50 : memref<640x64xf32, #tpu.memory_space<hbm>>)
      tpu.yield
    }) : () -> ()
    return
  }
}

module attributes {stable_mosaic.version = 14 : i64} {
  func.func @_mm1_body(%arg0: i32, %arg1: memref<2x1000x16xf32, #tpu.memory_space<vmem>>, %arg2: memref<1000x128xf32, #tpu.memory_space<vmem>>, %arg3: memref<128x128xf32, #tpu.memory_space<vmem>>, %arg4: memref<1000x128xf32, #tpu.memory_space<vmem>>) attributes {dimension_semantics = [#tpu.dimension_semantics<arbitrary>], iteration_bounds = array<i64: 10>, scalar_prefetch = 0 : i64, scratch_operands = 0 : i64, tpu.core_type = #tpu.core_type<tc>, window_params = [{transform_indices = @transform_0, window_bounds = array<i64: 2, 1000, 16>}, {transform_indices = @transform_1, window_bounds = array<i64: 1000, 128>}, {pipeline_mode = #tpu.pipeline_mode<synchronous>, transform_indices = @transform_2, window_bounds = array<i64: 128, 128>}, {transform_indices = @transform_3, window_bounds = array<i64: 1000, 128>}]} {
    %get3A = arith.constant 0 : index
    %get3A_0 = arith.constant 0 : index
    %get3A_1 = arith.constant 0 : index
    %get3A_2 = vector.load %arg1[%get3A, %get3A_0, %get3A_1] : memref<2x1000x16xf32, #tpu.memory_space<vmem>>, vector<1x1000x1xf32>
    %get3A_3 = vector.shape_cast %get3A_2 : vector<1x1000x1xf32> to vector<1000x1xf32>
    %get3A_4 = arith.constant 1 : index
    %get3A_5 = arith.constant 0 : index
    %get3A_6 = arith.constant 0 : index
    %get3A_7 = vector.load %arg1[%get3A_4, %get3A_5, %get3A_6] : memref<2x1000x16xf32, #tpu.memory_space<vmem>>, vector<1x1000x1xf32>
    %get3A_8 = vector.shape_cast %get3A_7 : vector<1x1000x1xf32> to vector<1000x1xf32>
    %add3A = arith.addf %get3A_3, %get3A_8 : vector<1000x1xf32>
    %add3A_9 = arith.constant 1.000000e+00 : f32
    %add3A_10 = vector.broadcast %add3A_9 : f32 to vector<1000x1xf32>
    %add3A_11 = arith.addf %add3A, %add3A_10 : vector<1000x1xf32>
    %rsqrt3A = math.rsqrt %add3A_11 : vector<1000x1xf32>
    %get3A_12 = arith.constant 0 : index
    %get3A_13 = arith.constant 0 : index
    %get3A_14 = vector.load %arg2[%get3A_12, %get3A_13] : memref<1000x128xf32, #tpu.memory_space<vmem>>, vector<1000x128xf32>
    %get3A_15 = arith.constant 0 : index
    %get3A_16 = arith.constant 0 : index
    %get3A_17 = vector.load %arg3[%get3A_15, %get3A_16] : memref<128x128xf32, #tpu.memory_space<vmem>>, vector<128x128xf32>
    %dot_general3A = arith.constant dense<0.000000e+00> : vector<1000x128xf32>
    %dot_general3A_18 = tpu.matmul %get3A_14, %get3A_17, %dot_general3A {dimension_numbers = #tpu.dot_dimension_numbers<[1], [0], [0], [1], [0, 0, 1, 1], [], []>, transpose_lhs_hint = false} : vector<1000x128xf32>, vector<128x128xf32>, vector<1000x128xf32> -> vector<1000x128xf32>
    %mul3A = vector.broadcast %rsqrt3A : vector<1000x1xf32> to vector<1000x128xf32>
    %mul3A_19 = arith.mulf %mul3A, %dot_general3A_18 : vector<1000x128xf32>
    %swap3A = arith.constant 0 : index
    %swap3A_20 = arith.constant 0 : index
    %swap3A_21 = vector.load %arg4[%swap3A, %swap3A_20] : memref<1000x128xf32, #tpu.memory_space<vmem>>, vector<1000x128xf32>
    tpu.vector_store %arg4[%swap3A, %swap3A_20], %mul3A_19 {strides = array<i32>} : memref<1000x128xf32, #tpu.memory_space<vmem>>, vector<1000x128xf32>,
    return
  }
  func.func @transform_0(%arg0: i32) -> (i32, i32, i32) {
    %c0_i32 = arith.constant 0 : i32
    %c0_i32_0 = arith.constant 0 : i32
    %c0_i32_1 = arith.constant 0 : i32
    return %c0_i32, %arg0, %c0_i32_0 : i32, i32, i32
  }
  func.func @transform_1(%arg0: i32) -> (i32, i32) {
    %c0_i32 = arith.constant 0 : i32
    %c0_i32_0 = arith.constant 0 : i32
    return %arg0, %c0_i32 : i32, i32
  }
  func.func @transform_2(%arg0: i32) -> (i32, i32) {
    %c0_i32 = arith.constant 0 : i32
    %c0_i32_0 = arith.constant 0 : i32
    %c0_i32_1 = arith.constant 0 : i32
    return %c0_i32, %c0_i32_0 : i32, i32
  }
  func.func @transform_3(%arg0: i32) -> (i32, i32) {
    %c0_i32 = arith.constant 0 : i32
    %c0_i32_0 = arith.constant 0 : i32
    return %arg0, %c0_i32 : i32, i32
  }
}

module attributes {stable_mosaic.version = 14 : i64} {
  func.func @_mid_body(%arg0: i32, %arg1: memref<2x1000x16xf32, #tpu.memory_space<vmem>>, %arg2: memref<2x1000x128xf32, #tpu.memory_space<vmem>>, %arg3: memref<1000x128xf32, #tpu.memory_space<vmem>>, %arg4: memref<1x128xf32, #tpu.memory_space<vmem>>, %arg5: memref<128x64xf32, #tpu.memory_space<vmem>>, %arg6: memref<1000x64xf32, #tpu.memory_space<vmem>>) attributes {dimension_semantics = [#tpu.dimension_semantics<arbitrary>], iteration_bounds = array<i64: 10>, scalar_prefetch = 0 : i64, scratch_operands = 0 : i64, tpu.core_type = #tpu.core_type<tc>, window_params = [{transform_indices = @transform_0, window_bounds = array<i64: 2, 1000, 16>}, {transform_indices = @transform_1, window_bounds = array<i64: 2, 1000, 128>}, {transform_indices = @transform_2, window_bounds = array<i64: 1000, 128>}, {pipeline_mode = #tpu.pipeline_mode<synchronous>, transform_indices = @transform_3, window_bounds = array<i64: 1, 128>}, {pipeline_mode = #tpu.pipeline_mode<synchronous>, transform_indices = @transform_4, window_bounds = array<i64: 128, 64>}, {transform_indices = @transform_5, window_bounds = array<i64: 1000, 64>}]} {
    %get3A = arith.constant 0 : index
    %get3A_0 = arith.constant 0 : index
    %get3A_1 = arith.constant 0 : index
    %get3A_2 = vector.load %arg1[%get3A, %get3A_0, %get3A_1] : memref<2x1000x16xf32, #tpu.memory_space<vmem>>, vector<1x1000x1xf32>
    %get3A_3 = vector.shape_cast %get3A_2 : vector<1x1000x1xf32> to vector<1000x1xf32>
    %get3A_4 = arith.constant 1 : index
    %get3A_5 = arith.constant 0 : index
    %get3A_6 = arith.constant 0 : index
    %get3A_7 = vector.load %arg1[%get3A_4, %get3A_5, %get3A_6] : memref<2x1000x16xf32, #tpu.memory_space<vmem>>, vector<1x1000x1xf32>
    %get3A_8 = vector.shape_cast %get3A_7 : vector<1x1000x1xf32> to vector<1000x1xf32>
    %add3A = arith.addf %get3A_3, %get3A_8 : vector<1000x1xf32>
    %add3A_9 = arith.constant 1.000000e+00 : f32
    %add3A_10 = vector.broadcast %add3A_9 : f32 to vector<1000x1xf32>
    %add3A_11 = arith.addf %add3A, %add3A_10 : vector<1000x1xf32>
    %rsqrt3A = math.rsqrt %add3A_11 : vector<1000x1xf32>
    %get3A_12 = arith.constant 0 : index
    %get3A_13 = arith.constant 0 : index
    %get3A_14 = arith.constant 0 : index
    %get3A_15 = vector.load %arg2[%get3A_12, %get3A_13, %get3A_14] : memref<2x1000x128xf32, #tpu.memory_space<vmem>>, vector<1x1000x128xf32>
    %get3A_16 = vector.shape_cast %get3A_15 : vector<1x1000x128xf32> to vector<1000x128xf32>
    %get3A_17 = arith.constant 1 : index
    %get3A_18 = arith.constant 0 : index
    %get3A_19 = arith.constant 0 : index
    %get3A_20 = vector.load %arg2[%get3A_17, %get3A_18, %get3A_19] : memref<2x1000x128xf32, #tpu.memory_space<vmem>>, vector<1x1000x128xf32>
    %get3A_21 = vector.shape_cast %get3A_20 : vector<1x1000x128xf32> to vector<1000x128xf32>
    %add3A_22 = arith.addf %get3A_16, %get3A_21 : vector<1000x128xf32>
    %get3A_23 = arith.constant 0 : index
    %get3A_24 = arith.constant 0 : index
    %get3A_25 = vector.load %arg3[%get3A_23, %get3A_24] : memref<1000x128xf32, #tpu.memory_space<vmem>>, vector<1000x128xf32>
    %add3A_26 = arith.addf %add3A_22, %get3A_25 : vector<1000x128xf32>
    %mul3A = vector.broadcast %rsqrt3A : vector<1000x1xf32> to vector<1000x128xf32>
    %mul3A_27 = arith.mulf %mul3A, %add3A_26 : vector<1000x128xf32>
    %get3A_28 = arith.constant 0 : index
    %get3A_29 = arith.constant 0 : index
    %get3A_30 = vector.load %arg4[%get3A_28, %get3A_29] : memref<1x128xf32, #tpu.memory_space<vmem>>, vector<1x128xf32>
    %add3A_31 = vector.broadcast %get3A_30 : vector<1x128xf32> to vector<1000x128xf32>
    %add3A_32 = arith.addf %mul3A_27, %add3A_31 : vector<1000x128xf32>
    %max3A = arith.constant 0.000000e+00 : f32
    %max3A_33 = vector.broadcast %max3A : f32 to vector<1000x128xf32>
    %max3A_34 = arith.maximumf %add3A_32, %max3A_33 : vector<1000x128xf32>
    %get3A_35 = arith.constant 0 : index
    %get3A_36 = arith.constant 0 : index
    %get3A_37 = vector.load %arg5[%get3A_35, %get3A_36] : memref<128x64xf32, #tpu.memory_space<vmem>>, vector<128x64xf32>
    %dot_general3A = arith.constant dense<0.000000e+00> : vector<1000x64xf32>
    %dot_general3A_38 = tpu.matmul %max3A_34, %get3A_37, %dot_general3A {dimension_numbers = #tpu.dot_dimension_numbers<[1], [0], [0], [1], [0, 0, 1, 1], [], []>, transpose_lhs_hint = false} : vector<1000x128xf32>, vector<128x64xf32>, vector<1000x64xf32> -> vector<1000x64xf32>
    %mul3A_39 = vector.broadcast %rsqrt3A : vector<1000x1xf32> to vector<1000x64xf32>
    %mul3A_40 = arith.mulf %mul3A_39, %dot_general3A_38 : vector<1000x64xf32>
    %swap3A = arith.constant 0 : index
    %swap3A_41 = arith.constant 0 : index
    %swap3A_42 = vector.load %arg6[%swap3A, %swap3A_41] : memref<1000x64xf32, #tpu.memory_space<vmem>>, vector<1000x64xf32>
    tpu.vector_store %arg6[%swap3A, %swap3A_41], %mul3A_40 {strides = array<i32>} : memref<1000x64xf32, #tpu.memory_space<vmem>>, vector<1000x64xf32>,
    return
  }
  func.func @transform_0(%arg0: i32) -> (i32, i32, i32) {
    %c0_i32 = arith.constant 0 : i32
    %c0_i32_0 = arith.constant 0 : i32
    %c0_i32_1 = arith.constant 0 : i32
    return %c0_i32, %arg0, %c0_i32_0 : i32, i32, i32
  }
  func.func @transform_1(%arg0: i32) -> (i32, i32, i32) {
    %c0_i32 = arith.constant 0 : i32
    %c0_i32_0 = arith.constant 0 : i32
    %c0_i32_1 = arith.constant 0 : i32
    return %c0_i32, %arg0, %c0_i32_0 : i32, i32, i32
  }
  func.func @transform_2(%arg0: i32) -> (i32, i32) {
    %c0_i32 = arith.constant 0 : i32
    %c0_i32_0 = arith.constant 0 : i32
    return %arg0, %c0_i32 : i32, i32
  }
  func.func @transform_3(%arg0: i32) -> (i32, i32) {
    %c0_i32 = arith.constant 0 : i32
    %c0_i32_0 = arith.constant 0 : i32
    %c0_i32_1 = arith.constant 0 : i32
    return %c0_i32, %c0_i32_0 : i32, i32
  }
  func.func @transform_4(%arg0: i32) -> (i32, i32) {
    %c0_i32 = arith.constant 0 : i32
    %c0_i32_0 = arith.constant 0 : i32
    %c0_i32_1 = arith.constant 0 : i32
    return %c0_i32, %c0_i32_0 : i32, i32
  }
  func.func @transform_5(%arg0: i32) -> (i32, i32) {
    %c0_i32 = arith.constant 0 : i32
    %c0_i32_0 = arith.constant 0 : i32
    return %arg0, %c0_i32 : i32, i32
  }
}

module attributes {stable_mosaic.version = 14 : i64} {
  func.func @_fin_body(%arg0: i32, %arg1: memref<2x1000x16xf32, #tpu.memory_space<vmem>>, %arg2: memref<2x1000x64xf32, #tpu.memory_space<vmem>>, %arg3: memref<1000x64xf32, #tpu.memory_space<vmem>>, %arg4: memref<1x64xf32, #tpu.memory_space<vmem>>, %arg5: memref<1000x64xf32, #tpu.memory_space<vmem>>) attributes {dimension_semantics = [#tpu.dimension_semantics<arbitrary>], iteration_bounds = array<i64: 10>, scalar_prefetch = 0 : i64, scratch_operands = 0 : i64, tpu.core_type = #tpu.core_type<tc>, window_params = [{transform_indices = @transform_0, window_bounds = array<i64: 2, 1000, 16>}, {transform_indices = @transform_1, window_bounds = array<i64: 2, 1000, 64>}, {transform_indices = @transform_2, window_bounds = array<i64: 1000, 64>}, {pipeline_mode = #tpu.pipeline_mode<synchronous>, transform_indices = @transform_3, window_bounds = array<i64: 1, 64>}, {transform_indices = @transform_4, window_bounds = array<i64: 1000, 64>}]} {
    %get3A = arith.constant 0 : index
    %get3A_0 = arith.constant 0 : index
    %get3A_1 = arith.constant 0 : index
    %get3A_2 = vector.load %arg1[%get3A, %get3A_0, %get3A_1] : memref<2x1000x16xf32, #tpu.memory_space<vmem>>, vector<1x1000x1xf32>
    %get3A_3 = vector.shape_cast %get3A_2 : vector<1x1000x1xf32> to vector<1000x1xf32>
    %get3A_4 = arith.constant 1 : index
    %get3A_5 = arith.constant 0 : index
    %get3A_6 = arith.constant 0 : index
    %get3A_7 = vector.load %arg1[%get3A_4, %get3A_5, %get3A_6] : memref<2x1000x16xf32, #tpu.memory_space<vmem>>, vector<1x1000x1xf32>
    %get3A_8 = vector.shape_cast %get3A_7 : vector<1x1000x1xf32> to vector<1000x1xf32>
    %add3A = arith.addf %get3A_3, %get3A_8 : vector<1000x1xf32>
    %add3A_9 = arith.constant 1.000000e+00 : f32
    %add3A_10 = vector.broadcast %add3A_9 : f32 to vector<1000x1xf32>
    %add3A_11 = arith.addf %add3A, %add3A_10 : vector<1000x1xf32>
    %rsqrt3A = math.rsqrt %add3A_11 : vector<1000x1xf32>
    %get3A_12 = arith.constant 0 : index
    %get3A_13 = arith.constant 0 : index
    %get3A_14 = arith.constant 0 : index
    %get3A_15 = vector.load %arg2[%get3A_12, %get3A_13, %get3A_14] : memref<2x1000x64xf32, #tpu.memory_space<vmem>>, vector<1x1000x64xf32>
    %get3A_16 = vector.shape_cast %get3A_15 : vector<1x1000x64xf32> to vector<1000x64xf32>
    %get3A_17 = arith.constant 1 : index
    %get3A_18 = arith.constant 0 : index
    %get3A_19 = arith.constant 0 : index
    %get3A_20 = vector.load %arg2[%get3A_17, %get3A_18, %get3A_19] : memref<2x1000x64xf32, #tpu.memory_space<vmem>>, vector<1x1000x64xf32>
    %get3A_21 = vector.shape_cast %get3A_20 : vector<1x1000x64xf32> to vector<1000x64xf32>
    %add3A_22 = arith.addf %get3A_16, %get3A_21 : vector<1000x64xf32>
    %get3A_23 = arith.constant 0 : index
    %get3A_24 = arith.constant 0 : index
    %get3A_25 = vector.load %arg3[%get3A_23, %get3A_24] : memref<1000x64xf32, #tpu.memory_space<vmem>>, vector<1000x64xf32>
    %add3A_26 = arith.addf %add3A_22, %get3A_25 : vector<1000x64xf32>
    %mul3A = vector.broadcast %rsqrt3A : vector<1000x1xf32> to vector<1000x64xf32>
    %mul3A_27 = arith.mulf %mul3A, %add3A_26 : vector<1000x64xf32>
    %get3A_28 = arith.constant 0 : index
    %get3A_29 = arith.constant 0 : index
    %get3A_30 = vector.load %arg4[%get3A_28, %get3A_29] : memref<1x64xf32, #tpu.memory_space<vmem>>, vector<1x64xf32>
    %add3A_31 = vector.broadcast %get3A_30 : vector<1x64xf32> to vector<1000x64xf32>
    %add3A_32 = arith.addf %mul3A_27, %add3A_31 : vector<1000x64xf32>
    %swap3A = arith.constant 0 : index
    %swap3A_33 = arith.constant 0 : index
    %swap3A_34 = vector.load %arg5[%swap3A, %swap3A_33] : memref<1000x64xf32, #tpu.memory_space<vmem>>, vector<1000x64xf32>
    tpu.vector_store %arg5[%swap3A, %swap3A_33], %add3A_32 {strides = array<i32>} : memref<1000x64xf32, #tpu.memory_space<vmem>>, vector<1000x64xf32>,
    return
  }
  func.func @transform_0(%arg0: i32) -> (i32, i32, i32) {
    %c0_i32 = arith.constant 0 : i32
    %c0_i32_0 = arith.constant 0 : i32
    %c0_i32_1 = arith.constant 0 : i32
    return %c0_i32, %arg0, %c0_i32_0 : i32, i32, i32
  }
  func.func @transform_1(%arg0: i32) -> (i32, i32, i32) {
    %c0_i32 = arith.constant 0 : i32
    %c0_i32_0 = arith.constant 0 : i32
    %c0_i32_1 = arith.constant 0 : i32
    return %c0_i32, %arg0, %c0_i32_0 : i32, i32, i32
  }
  func.func @transform_2(%arg0: i32) -> (i32, i32) {
    %c0_i32 = arith.constant 0 : i32
    %c0_i32_0 = arith.constant 0 : i32
    return %arg0, %c0_i32 : i32, i32
  }
  func.func @transform_3(%arg0: i32) -> (i32, i32) {
    %c0_i32 = arith.constant 0 : i32
    %c0_i32_0 = arith.constant 0 : i32
    %c0_i32_1 = arith.constant 0 : i32
    return %c0_i32, %c0_i32_0 : i32, i32
  }
  func.func @transform_4(%arg0: i32) -> (i32, i32) {
    %c0_i32 = arith.constant 0 : i32
    %c0_i32_0 = arith.constant 0 : i32
    return %arg0, %c0_i32 : i32, i32
  }
}

</mosaic_0001>

<sc_bundles>
// kernel: kernel.11.cloned.1.call-start
scs
__scs_entry_jumppad:
0x0: {  	(pc) =	sbr.rel $0x88, $3  }
0x1: {  	(tag) =	ssettag $0x0;
	lr =	simm.s32 $0x1  }
0x2: {  	[smem:$0x3F9B] =	sst lr;
	_ =	strace $0xD0000000  }
0x3: {  	_ = 	snop  }
0x4: {  	_ = 	snop  }
0x5: {  	_ = 	snop  }
0x6: {  	_ = 	snop  }
0x7: {  	_ = 	snop  }
__scs_overlays_trampoline_lowered:
0x8: {  	[smem:$0x3FAA] =	sst s0  }
0x9: {  	[smem:$0x3FAB] =	sst s1  }
0xa: {  	[smem:$0x3FAC] =	sst s2  }
0xb: {  	[smem:$0x3FAD] =	sst s3  }
0xc: {  	[smem:$0x3FAE] =	sst s4  }
0xd: {  	[smem:$0x3FAF] =	sst s5  }
0xe: {  	[smem:$0x3FB0] =	sst s6  }
0xf: {  	[smem:$0x3FB1] =	sst s7  }
0x10: {  	[smem:$0x3FB2] =	sst s8  }
0x11: {  	[smem:$0x3FB3] =	sst s9;
	s0 =	simm.s32 @!p0 $0x0  }
0x12: {  	s1 =	sld [smem:$0x3F99];
	s0 =	simm.s32 @p0 $0x1  }
0x13: {  	[smem:$0x3FB4] =	sst s0;
	s0 =	simm.s32 @!p1 $0x0  }
0x14: {  	s2 =	sld [smem:$0x3F98];
	s0 =	simm.s32 @p1 $0x1  }
0x15: {  	[smem:$0x3FB5] =	sst s0;
	s0 =	simm.s32 @!p2 $0x0  }
0x16: {  	s3 =	sld [smem:$0x3FDB];
	s0 =	simm.s32 @p2 $0x1  }
0x17: {  	s4 =	simm.s32 $0x1BF5;
	[smem:$0x3FB7] =	sst s0  }
0x18: {  	s0 =	sld [smem:$0x3F9A];
	_ =	swait.ge [sflag:s4], $0x0  }
0x19: {  	s7 =	sld [smem:$0x3F9B]  }
0x1a: {  	s8 =	sadd.s32 $0xFFFFE003, lr  }
0x1b: {  	s9 =	sadd.s32 $0xFFFFFEF7, lr;
	s5 =	simm.s32 $0xFFFFFFFF;
	p2 =	slt.u32 s8, $0xFFFFF086  }
0x1c: {  	p1 =	slt.u32 s9, $0xF7A;
	s5 =	simm.s32 @!p2 $0x0  }
0x1d: {  	s5 =	simm.s32 @p1 $0x1;
	p0 =	seq.s32 s7, s2  }
0x1e: {  	s7 =	smul.u32 @!p0 $0xF7A, s2;
	p2 =	seq.s32 @!p0 s5, $0x0  }
0x1f: {  	s9 =	smul.u32 $0xF7A, s1;
	s8 =	simm.s32 @!p0 $0x1BF5;
	p2 =	por !p2, p0  }
0x20: {  	[sflag:s8] =	ssyncset.s32 @!p0 $0xFFFFF086;
	s6 =	sadd.s32 @!p0 s3, s7;
	s7 =	simm.s32 @!p0 $0x108  }
0x21: {  	s3 =	sadd.s32 s3, s9;
	s6 =	sadd.s32 @!p0 $0x88, s6;
	s7 =	simm.s32 @p2 $0x1082  }
0x22: {  	[simem:s7], [sflag:s8] =	dma.local @!p0 [hbm:s6], $0xF7A  }
0x23: {  	s9 =	sor.u32 $0xD0000000, s2;
	s6 =	simm.s32 $0x108;
	_ =	swait.ge @!p0 [sflag:s8], $0x0  }
0x24: {  	s3 =	sadd.s32 $0x88, s3;
	s6 =	simm.s32 @!p1 $0x1082;
	[sflag:s4] =	ssyncset.s32 $0xFFFFF086  }
0x25: {  	[simem:s6], [sflag:s4] =	dma.local [hbm:s3], $0xF7A  }
0x26: {  	[smem:$0x3F9B] =	sst s1;
	(tag) =	ssettag s2;
	_ =	strace s9  }
0x27: {  	s1 =	sld [smem:$0x3FAB]  }
0x28: {  	s2 =	sld [smem:$0x3FAC]  }
0x29: {  	s4 =	sld [smem:$0x3FAE]  }
0x2a: {  	p0 =	seq.s32 s5, $0x0;
	s5 =	sld [smem:$0x3FAF]  }
0x2b: {  	s6 =	sld [smem:$0x3FB0]  }
0x2c: {  	s7 =	sld [smem:$0x3FB1]  }
0x2d: {  	s3 =	simm.s32 $0x108;
	s8 =	sld [smem:$0x3FB2]  }
0x2e: {  	s3 =	simm.s32 @!p0 $0x1082;
	s9 =	sld [smem:$0x3FB3]  }
0x2f: {  	lr =	sadd.s32 s0, s3;
	s0 =	sld [smem:$0x3FAA]  }
0x30: {  	s3 =	sld [smem:$0x3FAD]  }
0x31: {  	[smem:$0x3FB6] =	sst s10  }
0x32: {  	s10 =	sld [smem:$0x3FB4];
	_ =	sdelay $0x3  }
0x33: {  	p0 =	seq.s32 s10, $0x1;
	s10 =	sld [smem:$0x3FB6];
	_ =	sdelay $0x3  }
0x34: {  	[smem:$0x3FB6] =	sst s10  }
0x35: {  	s10 =	sld [smem:$0x3FB5];
	_ =	sdelay $0x3  }
0x36: {  	p1 =	seq.s32 s10, $0x1;
	s10 =	sld [smem:$0x3FB6];
	_ =	sdelay $0x3  }
0x37: {  	[smem:$0x3FB6] =	sst s10  }
0x38: {  	s10 =	sld [smem:$0x3FB7]  }
0x39: {  	_ = 	snop;
	(pc) =	sbr.ind lr, $3  }
0x3a: {  	_ = 	snop  }
0x3b: {  	_ = 	snop  }
0x3c: {  	p2 =	seq.s32 s10, $0x1;
	s10 =	sld [smem:$0x3FB6]  }
0x3d: {  	_ =	shalt  }
0x3e: {  	_ =	shalt  }
0x3f: {  	_ =	shalt  }
0x40: {  	_ =	shalt  }
0x41: {  	_ =	shalt  }
0x42: {  	_ =	shalt  }
0x43: {  	_ =	shalt  }
0x44: {  	_ =	shalt  }
0x45: {  	_ =	shalt  }
0x46: {  	_ =	shalt  }
0x47: {  	_ =	shalt  }
0x48: {  	_ =	shalt  }
0x49: {  	_ =	shalt  }
0x4a: {  	_ =	shalt  }
0x4b: {  	_ =	shalt  }
0x4c: {  	_ =	shalt  }
0x4d: {  	_ =	shalt  }
0x4e: {  	_ =	shalt  }
0x4f: {  	_ =	shalt  }
0x50: {  	_ =	shalt  }
0x51: {  	_ =	shalt  }
0x52: {  	_ =	shalt  }
0x53: {  	_ =	shalt  }
0x54: {  	_ =	shalt  }
0x55: {  	_ =	shalt  }
0x56: {  	_ =	shalt  }
0x57: {  	_ =	shalt  }
0x58: {  	_ =	shalt  }
0x59: {  	_ =	shalt  }
0x5a: {  	_ =	shalt  }
0x5b: {  	_ =	shalt  }
0x5c: {  	_ =	shalt  }
0x5d: {  	_ =	shalt  }
0x5e: {  	_ =	shalt  }
0x5f: {  	_ =	shalt  }
0x60: {  	_ =	shalt  }
0x61: {  	_ =	shalt  }
0x62: {  	_ =	shalt  }
0x63: {  	_ =	shalt  }
0x64: {  	_ =	shalt  }
0x65: {  	_ =	shalt  }
0x66: {  	_ =	shalt  }
0x67: {  	_ =	shalt  }
0x68: {  	_ =	shalt  }
0x69: {  	_ =	shalt  }
0x6a: {  	_ =	shalt  }
0x6b: {  	_ =	shalt  }
0x6c: {  	_ =	shalt  }
0x6d: {  	_ =	shalt  }
0x6e: {  	_ =	shalt  }
0x6f: {  	_ =	shalt  }
0x70: {  	_ =	shalt  }
0x71: {  	_ =	shalt  }
0x72: {  	_ =	shalt  }
0x73: {  	_ =	shalt  }
0x74: {  	_ =	shalt  }
0x75: {  	_ =	shalt  }
0x76: {  	_ =	shalt  }
0x77: {  	_ =	shalt  }
0x78: {  	_ =	shalt  }
0x79: {  	_ =	shalt  }
0x7a: {  	_ =	shalt  }
0x7b: {  	_ =	shalt  }
0x7c: {  	_ =	shalt  }
0x7d: {  	_ =	shalt  }
0x7e: {  	_ =	shalt  }
0x7f: {  	_ =	shalt  }
0x80: {  	_ =	shalt  }
0x81: {  	_ =	shalt  }
0x82: {  	_ =	shalt  }
0x83: {  	_ =	shalt  }
0x84: {  	_ =	shalt  }
0x85: {  	_ =	shalt  }
0x86: {  	_ =	shalt  }
0x87: {  	_ =	shalt  }
.Lfunc_end0:
.L_simem_size_0:
called_computation.1_lowered:
.L_overlay_start_0:
0x88: {  	s2 =	sld [smem:$0x3FD9]  }
0x89: {  	s3 =	sld [smem:$0x3FFE];
	_ =	sdelay $0x1  }
0x8a: {  	s1 =	srdreg.scid  }
0x8b: {  	s0 =	sand.u32 $0x1, s1  }
0x8c: {  	s16 =	sshll.u32 s0, $0xA;
	s2 =	sadd.s32 s3, s2  }
0x8d: {  	s2 =	sadd.s32 s2, s16  }
0x8e: {  	[smem:$0x3FC2] =	sst s2  }
0x8f: {  	_ = 	snop  }
0x90: {  	(tm) =	ssettm $0x1  }
0x91: {  	s17 =	sld [smem:$0x3FFB];
	_ =	sdelay $0x3  }
0x92: {  	_ =	strace s17  }
0x93: {  	s2 =	sld [smem:$0x3FFC];
	_ =	sdelay $0x3  }
0x94: {  	_ =	strace s2  }
0x95: {  	s2 =	sld [smem:$0x3FFD];
	_ =	sdelay $0x3  }
0x96: {  	_ =	strace s2  }
0x97: {  	_ =	strace $0x8FFFFFFF  }
0x98: {  	s18 =	sld [smem:$0x3FDB];
	_ =	sdelay $0x1  }
0x99: {  	s19 =	simm.s32 $_scs_section_size  }
0x9a: {  	s4 =	simm.s32 $_size__tile_overlayer_lowered;
	s5 =	simm.s32 $_tile_overlayer_lowered  }
0x9b: {  	s22 =	simm.s32 $0x1BFF;
	s21 =	sshll.u32 s5, $0x1;
	s2 =	sadd.s32 s19, s18  }
0x9c: {  	s6 =	simm.s32 $0x0;
	s20 =	sshll.u32 s4, $0x1;
	s4 =	sadd.s32 s21, s2  }
0x9d: {  	[timem:s6], [sflag:s22] =	dma.local [hbm:s4], s20  }
0x9e: {  	_ =	swait.ge [sflag:s22], s20  }
0x9f: {  	s3 =	ssub.s32 $0x0, s20;
	[sflag:s22] =	ssyncset.done $0x0  }
0xa0: {  	[sflag:s22] =	ssyncadd.s32 s3;
	_ =	sdelay $0x1  }
0xa1: {  	s23 =	simm.s32 $0x1B8B  }
0xa2: {  	_ =	swait.ge [sflag:s23], $0x1  }
0xa3: {  	[sflag:s23] =	ssyncset.done $0x0  }
0xa4: {  	s25 =	simm.s32 $0x1B8E;
	s24 =	sld [smem:$0x3FFE];
	[sflag:s23] =	ssyncadd.s32 $0xFFFFFFFF  }
0xa5: {  	s26 =	simm.s32 $execute0_lowered;
	[smem:$0x3FD2] =	sst s25  }
0xa6: {  	s4 =	sshll.u32 s26, $0x1;
	_ =	strace $0x80000049;
	[dreg:$0x1] =	wrdreg $0xFFFFFFFF  }
0xa7: {  	s28 =	simm.s32 $_size_execute0_lowered;
	s2 =	sadd.s32 s2, s4;
	[dreg:$0x0] =	wrdreg $0x0  }
0xa8: {  	s4 =	sshll.u32 s28, $0x1;
	[dreg:$0x2] =	wrdreg s2  }
0xa9: {  	[dreg:$0x3] =	wrdreg s4  }
0xaa: {  	[dreg:$0x4] =	wrdreg $0xC0  }
0xab: {  	_ =	task [dreg:s6], $0x5FFFF  }
0xac: {  	[dreg:$0x1] =	wrdreg $0xFFFFFFFF  }
0xad: {  	[dreg:$0x0] =	wrdreg $0x60  }
0xae: {  	[dreg:$0x2] =	wrdreg s24  }
0xaf: {  	[dreg:$0x3] =	wrdreg $0x0  }
0xb0: {  	[dreg:$0x4] =	wrdreg $0x9  }
0xb1: {  	_ =	task.clear_ibuf [dreg:s6], $0x5FFFF;
	_ =	strace $0x90000049  }
0xb2: {  	s29 =	simm.s32 $0x9;
	_ =	strace $0x8000004B  }
0xb3: {  	_ =	swait.ge [sflag:s29], $0x1  }
0xb4: {  	[sflag:s29] =	ssyncadd.s32 $0xFFFFFFFF  }
0xb5: {  	_ =	strace $0x9000004B  }
0xb6: {  	_ =	sfence  }
0xb7: {  	s30 =	sld [smem:$0x0];
	_ =	sdelay $0x2  }
0xb8: {  	s31 =	sshll.u32 s1, $0xD;
	s1 =	sshrl.u32 s1, $0x2  }
0xb9: {  	s3 =	sand.u32 $0x4000, s31;
	s1 =	sadd.s32 s1, s30  }
0xba: {  	s0 =	sor.u32 s3, s0;
	s1 =	sshll.u32 s1, $0x11  }
0xbb: {  	s0 =	sor.u32 s1, s0  }
0xbc: {  	s0 =	sadd.s32 $0x8F2B, s0  }
0xbd: {  	[sflag:s0] =	ssyncadd.remote.s32 $0x1  }
0xbe: {  	_ =	sfence.sel $0xFFFF  }
0xbf: {  	[dreg:$0x0] =	wrdreg $0xFFFFFFFF;
	(pc) =	sbr.abs _section_cstart, $3  }
0xc0: {  	[dreg:$0x1] =	wrdreg $0xFFFFFFFF  }
0xc1: {  	_ =	task.clear_ibuf [dreg:s6], $0x2FFFF;
	_ =	strace $0x9FFFFFFF  }
0xc2: {  	(tm) =	ssettm $0x7FFFFFFF  }
0xc3: {  	_ =	shalt  }
tec
execute0_lowered:
.L_overlay_start_1:
0x0: {  	(tag) =	ssettag $0x1  }
0x1: {  	s1 =	srdreg.scid;
	s6 =	rddreg [dreg:$0x0]  }
0x2: {  	s0 =	stileid.u32;
	s2 =	rddreg [dreg:$0x1]  }
0x3: {  	s3 =	simm.s32 $0x0;
	s14 =	simm.s32 $0x70;
	s15 =	simm.s32 $0x18EC0  }
0x4: {  	s16 =	simm.s32 $0x14070;
	s17 =	simm.s32 $0x1C6C0;
	s18 =	simm.s32 $0x0  }
0x5: {  	s5 =	sand.u32 $0x1, s1;
	s30 =	sshll.u32 s0, $0x1;
	s7 =	smul.u32 $0x14000, s0  }
0x6: {  	[smem:$0x7FF] =	sst s3;
	s1 =	sor.u32 s5, s30;
	s8 =	smul.u32 $0x140000, s5  }
0x7: {  	s31 =	sshll.u32 s0, $0x6;
	s5 =	ssub.s32 $0x2, s5;
	s4 =	smul.u32 $0x4EC, s1  }
0x8: {  	s1 =	rddreg [dreg:$0x2];
	_ =	strace $0x8000004A;
	s10 =	sshrl.u32 s7, $0x3  }
0x9: {  	s11 =	sshrl.u32 s5, $0x1;
	s13 =	sadd.s32 s7, s2;
	s8 =	sadd.s32 s7, s8  }
0xa: {  	s10 =	sadd.s32 s10, s6;
	s11 =	ssub.s32 s5, s11;
	s9 =	sadd.s32 s4, s6  }
0xb: {  	s4 =	sadd.s32 $0x15C00, s6;
	s8 =	sshrl.u32 s8, $0x3;
	s5 =	sadd.s32 $0x3CE00, s10  }
0xc: {  	s10 =	smax.u32 s11, $0x1;
	s11 =	sshrl.u32 s13, $0x3;
	s13 =	simm.s32 $0x14000  }
0xd: {  	s12 =	sadd.s32 s8, s6;
	s6 =	sor.u32 $0x1C03, s31;
	s7 =	sadd.s32 $0xBE00, s9  }
0xe: {  	s8 =	sadd.s32 $0x2000, s9;
	s9 =	sadd.s32 $0x64E00, s12;
	s12 =	simm.s32 $0x3  }
.LBB2_1:
0xf: {  	[spmem:s11], [sflag:s6] =	dma.local [hbm:s5], $0x2800  }
0x10: {  	_ =	swait.ge [sflag:s12], $0x2800  }
0x11: {  	[sflag:s12] =	ssyncset.done $0x0  }
0x12: {  	[sflag:s12] =	ssyncadd.s32 $0xFFFFD800  }
0x13: {  	[tilespmem:s13], [sflag:$0x3] =	stream.linear.gather [hbm4b:s7+s3], $0x2760, $0x38;
	[tilespmem:$0x1FEC0] =	vst v63  }
0x14: {  	_ =	swait.ge [sflag:s12], $0x2760  }
0x15: {  	[sflag:s12] =	ssyncset.done $0x0  }
0x16: {  	s20 =	simm.s32 $0x16760;
	[sflag:s12] =	ssyncadd.s32 $0xFFFFD8A0  }
0x17: {  	[tilespmem:s20], [sflag:$0x3] =	stream.linear.gather [hbm4b:s8+s3], $0x2760, $0x38;
	[tilespmem:$0x1FEC0] =	vst v63  }
0x18: {  	_ =	swait.ge [sflag:s12], $0x2760  }
0x19: {  	[sflag:s12] =	ssyncset.done $0x0  }
0x1a: {  	[sflag:s12] =	ssyncadd.s32 $0xFFFFD8A0  }
0x1b: {  	s19 =	sand.u32 $0x1, s3;
	[bflag:$0x0] =	sbarrier.arrive $0xFFFF  }
0x1c: {  	[tilespmem:s15], [sflag:$0x1] =	stream.indirect.gather [hbm4b:s4+s14], $0x80, s13, s14, $0xb8;
	[tilespmem:$0x1FEC0] =	vst v63  }
0x1d: {  	s23 =	smul.u32 $0xE000, s19;
	s22 =	sadd.s32 $0x1, s19  }
0x1e: {  	[tilespmem:s17], [sflag:$0x2] =	stream.indirect.gather [hbm4b:s4+s14], $0x80, s16, s14, $0xb8;
	[tilespmem:$0x1FEC0] =	vst v63  }
0x1f: {  	_ =	swait.ge [sflag:s22], $0x3800  }
0x20: {  	s21 =	simm.s32 $0x140E0;
	s23 =	sshrl.u32 s23, $0x2;
	[sflag:s22] =	ssyncset.done $0x0  }
0x21: {  	s25 =	simm.s32 $0x2;
	s26 =	sadd.s32 $0x18EC0, s23;
	[sflag:s22] =	ssyncadd.s32 $0xFFFFC800  }
0x22: {  	[spmem:s2] =	stream.indirect.scatter.add.f32 [tilespmem:s26], [sflag:$0x3], $0x80, s20, s14, $0xb8;
	[tilespmem:$0x1FEC0] =	vst v63  }
0x23: {  	p1 =	por $0x0, $0x0;
	s19 =	simm.s32 $0x1;
	_ =	swait.ge [sflag:s12], $0x3800  }
0x24: {  	s28 =	simm.s32 @!p1 $0x70;
	s24 =	sand.u32 $0x1, s19;
	[sflag:s12] =	ssyncset.done $0x0  }
0x25: {  	s23 =	simm.s32 $0x167D0;
	s20 =	simm.s32 $0x14150;
	[sflag:s12] =	ssyncadd.s32 $0xFFFFC800  }
.LBB2_2:
0x26: {  	[tilespmem:s26], [sflag:s22] =	stream.indirect.gather @!p1 [hbm4b:s4+s28], $0x80, s21, s28, $0xb8;
	[tilespmem:$0x1FEC0] =	vst v63  }
0x27: {  	s28 =	smov.u32 s19;
	s19 =	smov.u32 s25;
	s21 =	smov.u32 s20  }
0x28: {  	s26 =	smul.u32 $0xE000, s24;
	s22 =	sadd.s32 $0x1, s24;
	s24 =	sand.u32 $0x1, s25  }
0x29: {  	s25 =	sadd.s32 $0x1, s25;
	_ =	swait.ge [sflag:s22], $0x3800  }
0x2a: {  	p0 =	sne.s32 s25, $0x5A;
	s26 =	sshrl.u32 s26, $0x2;
	[sflag:s22] =	ssyncset.done $0x0  }
.Ltmp0:
0x2b: {  	s26 =	sadd.s32 $0x18EC0, s26;
	[sflag:s22] =	ssyncadd.s32 $0xFFFFC800;
	(pc) =	sbr.rel @p0 .LBB2_2-.Ltmp0, $4  }
0x2c: {  	[spmem:s2] =	stream.indirect.scatter.add.f32 [tilespmem:s26], [sflag:$0x3], $0x80, s23, s14, $0xb8;
	[tilespmem:$0x1FEC0] =	vst v63  }
0x2d: {  	_ =	swait.ge [sflag:s12], $0x3800  }
0x2e: {  	p1 =	sgt.u32 s28, $0x57;
	s23 =	sadd.s32 $0x70, s23;
	[sflag:s12] =	ssyncset.done $0x0  }
0x2f: {  	s20 =	sadd.s32 $0x70, s20;
	s28 =	simm.s32 @!p1 $0x70;
	[sflag:s12] =	ssyncadd.s32 $0xFFFFC800  }
0x30: {  	[tilespmem:s26], [sflag:s22] =	stream.indirect.gather @!p1 [hbm4b:s4+s28], $0x80, s21, s28, $0xb8;
	[tilespmem:$0x1FEC0] =	vst v63  }
0x31: {  	s31 =	smul.u32 $0xE000, s24;
	s22 =	sadd.s32 $0x1, s24  }
0x32: {  	_ =	swait.ge [sflag:s22], $0x3800  }
0x33: {  	s21 =	sshrl.u32 s31, $0x2;
	[sflag:s22] =	ssyncset.done $0x0  }
0x34: {  	s21 =	sadd.s32 $0x18EC0, s21;
	[sflag:s22] =	ssyncadd.s32 $0xFFFFC800  }
0x35: {  	[spmem:s2] =	stream.indirect.scatter.add.f32 [tilespmem:s21], [sflag:$0x3], $0x80, s23, s14, $0xb8;
	[tilespmem:$0x1FEC0] =	vst v63  }
0x36: {  	_ =	swait.ge [sflag:s12], $0x3800  }
0x37: {  	p0 =	sgt.u32 s19, $0x57;
	[sflag:s12] =	ssyncset.done $0x0  }
0x38: {  	s18 =	sadd.s32 $0x1, s18;
	s19 =	simm.s32 @!p0 $0x70;
	[sflag:s12] =	ssyncadd.s32 $0xFFFFC800  }
0x39: {  	[tilespmem:s21], [sflag:s22] =	stream.indirect.gather @!p0 [hbm4b:s4+s19], $0x80, s20, s19, $0xb8;
	[tilespmem:$0x1FEC0] =	vst v63  }
0x3a: {  	p0 =	sne.s32 s18, s10  }
.Ltmp1:
0x3b: {  	[bflag:$0x0] =	sbarrier.arrive $0xFFFF;
	(pc) =	sbr.rel @p0 .LBB2_1-.Ltmp1, $4  }
0x3c: {  	[hbm:s9], [sflag:s6] =	dma.local [spmem:s11], $0x2800  }
0x3d: {  	_ =	swait.ge [sflag:s12], $0x2800  }
0x3e: {  	[sflag:s12] =	ssyncset.done $0x0  }
0x3f: {  	[sflag:s12] =	ssyncadd.s32 $0xFFFFD800  }
0x40: {  	_ =	sfence.sel $0x180000  }
0x41: {  	[bflag:$0x0] =	sbarrier.arrive $0xFFFF  }
0x42: {  	p0 =	sne.s32 s0, $0x0;
	_ =	strace $0x9000004A  }
0x43: {  	s0 =	sadd.s32 @!p0 $0x100000, s1;
	[bflag:$0x2] =	sbarrier.arrive $0xFFFF  }
0x44: {  	[sflag:s0] =	ssyncadd.tile.s32 @!p0 $0x1;
	_ =	shalt  }
.Lfunc_end2:
_tile_overlayer_lowered:
.L_overlay_start_2:
0x45: {  	(tag) =	ssettag $0x2  }
0x46: {  	s0 =	rddreg [dreg:$0x0];
	s2 =	stileid.u32  }
0x47: {  	s1 =	rddreg [dreg:$0x1];
	p0 =	sne.s32 s2, $0x0  }
0x48: {  	s3 =	rddreg [dreg:$0x2];
	[bflag:$0x3] =	sbarrier.arrive $0xFFFF;
	s2 =	simm.s32 @!p0 $0x1C03  }
0x49: {  	[timem:s3], [sflag:s2] =	dma.local @!p0 [hbm:s0], s1  }
0x4a: {  	s0 =	simm.s32 @!p0 $0x3  }
0x4b: {  	_ =	swait.ge @!p0 [sflag:s0], s1  }
0x4c: {  	s1 =	ssub.s32 @!p0 $0x0, s1;
	[sflag:s0] =	ssyncset.done @!p0 $0x0  }
0x4d: {  	[sflag:s0] =	ssyncadd.s32 @!p0 s1  }
0x4e: {  	[bflag:$0x3] =	sbarrier.arrive $0xFFFF  }
0x4f: {  	_ =	shalt  }

// kernel: kernel.14.cloned.1.call-start
scs
__scs_entry_jumppad:
0x0: {  	(pc) =	sbr.rel $0x88, $3  }
0x1: {  	(tag) =	ssettag $0x0;
	lr =	simm.s32 $0x1  }
0x2: {  	[smem:$0x3F9B] =	sst lr;
	_ =	strace $0xD0000000  }
0x3: {  	_ = 	snop  }
0x4: {  	_ = 	snop  }
0x5: {  	_ = 	snop  }
0x6: {  	_ = 	snop  }
0x7: {  	_ = 	snop  }
__scs_overlays_trampoline_lowered:
0x8: {  	[smem:$0x3FAA] =	sst s0  }
0x9: {  	[smem:$0x3FAB] =	sst s1  }
0xa: {  	[smem:$0x3FAC] =	sst s2  }
0xb: {  	[smem:$0x3FAD] =	sst s3  }
0xc: {  	[smem:$0x3FAE] =	sst s4  }
0xd: {  	[smem:$0x3FAF] =	sst s5  }
0xe: {  	[smem:$0x3FB0] =	sst s6  }
0xf: {  	[smem:$0x3FB1] =	sst s7  }
0x10: {  	[smem:$0x3FB2] =	sst s8  }
0x11: {  	[smem:$0x3FB3] =	sst s9;
	s0 =	simm.s32 @!p0 $0x0  }
0x12: {  	s1 =	sld [smem:$0x3F99];
	s0 =	simm.s32 @p0 $0x1  }
0x13: {  	[smem:$0x3FB4] =	sst s0;
	s0 =	simm.s32 @!p1 $0x0  }
0x14: {  	s2 =	sld [smem:$0x3F98];
	s0 =	simm.s32 @p1 $0x1  }
0x15: {  	[smem:$0x3FB5] =	sst s0;
	s0 =	simm.s32 @!p2 $0x0  }
0x16: {  	s3 =	sld [smem:$0x3FDB];
	s0 =	simm.s32 @p2 $0x1  }
0x17: {  	s4 =	simm.s32 $0x1BF5;
	[smem:$0x3FB7] =	sst s0  }
0x18: {  	s0 =	sld [smem:$0x3F9A];
	_ =	swait.ge [sflag:s4], $0x0  }
0x19: {  	s7 =	sld [smem:$0x3F9B]  }
0x1a: {  	s8 =	sadd.s32 $0xFFFFE003, lr  }
0x1b: {  	s9 =	sadd.s32 $0xFFFFFEF7, lr;
	s5 =	simm.s32 $0xFFFFFFFF;
	p2 =	slt.u32 s8, $0xFFFFF086  }
0x1c: {  	p1 =	slt.u32 s9, $0xF7A;
	s5 =	simm.s32 @!p2 $0x0  }
0x1d: {  	s5 =	simm.s32 @p1 $0x1;
	p0 =	seq.s32 s7, s2  }
0x1e: {  	s7 =	smul.u32 @!p0 $0xF7A, s2;
	p2 =	seq.s32 @!p0 s5, $0x0  }
0x1f: {  	s9 =	smul.u32 $0xF7A, s1;
	s8 =	simm.s32 @!p0 $0x1BF5;
	p2 =	por !p2, p0  }
0x20: {  	[sflag:s8] =	ssyncset.s32 @!p0 $0xFFFFF086;
	s6 =	sadd.s32 @!p0 s3, s7;
	s7 =	simm.s32 @!p0 $0x108  }
0x21: {  	s3 =	sadd.s32 s3, s9;
	s6 =	sadd.s32 @!p0 $0x88, s6;
	s7 =	simm.s32 @p2 $0x1082  }
0x22: {  	[simem:s7], [sflag:s8] =	dma.local @!p0 [hbm:s6], $0xF7A  }
0x23: {  	s9 =	sor.u32 $0xD0000000, s2;
	s6 =	simm.s32 $0x108;
	_ =	swait.ge @!p0 [sflag:s8], $0x0  }
0x24: {  	s3 =	sadd.s32 $0x88, s3;
	s6 =	simm.s32 @!p1 $0x1082;
	[sflag:s4] =	ssyncset.s32 $0xFFFFF086  }
0x25: {  	[simem:s6], [sflag:s4] =	dma.local [hbm:s3], $0xF7A  }
0x26: {  	[smem:$0x3F9B] =	sst s1;
	(tag) =	ssettag s2;
	_ =	strace s9  }
0x27: {  	s1 =	sld [smem:$0x3FAB]  }
0x28: {  	s2 =	sld [smem:$0x3FAC]  }
0x29: {  	s4 =	sld [smem:$0x3FAE]  }
0x2a: {  	p0 =	seq.s32 s5, $0x0;
	s5 =	sld [smem:$0x3FAF]  }
0x2b: {  	s6 =	sld [smem:$0x3FB0]  }
0x2c: {  	s7 =	sld [smem:$0x3FB1]  }
0x2d: {  	s3 =	simm.s32 $0x108;
	s8 =	sld [smem:$0x3FB2]  }
0x2e: {  	s3 =	simm.s32 @!p0 $0x1082;
	s9 =	sld [smem:$0x3FB3]  }
0x2f: {  	lr =	sadd.s32 s0, s3;
	s0 =	sld [smem:$0x3FAA]  }
0x30: {  	s3 =	sld [smem:$0x3FAD]  }
0x31: {  	[smem:$0x3FB6] =	sst s10  }
0x32: {  	s10 =	sld [smem:$0x3FB4];
	_ =	sdelay $0x3  }
0x33: {  	p0 =	seq.s32 s10, $0x1;
	s10 =	sld [smem:$0x3FB6];
	_ =	sdelay $0x3  }
0x34: {  	[smem:$0x3FB6] =	sst s10  }
0x35: {  	s10 =	sld [smem:$0x3FB5];
	_ =	sdelay $0x3  }
0x36: {  	p1 =	seq.s32 s10, $0x1;
	s10 =	sld [smem:$0x3FB6];
	_ =	sdelay $0x3  }
0x37: {  	[smem:$0x3FB6] =	sst s10  }
0x38: {  	s10 =	sld [smem:$0x3FB7]  }
0x39: {  	_ = 	snop;
	(pc) =	sbr.ind lr, $3  }
0x3a: {  	_ = 	snop  }
0x3b: {  	_ = 	snop  }
0x3c: {  	p2 =	seq.s32 s10, $0x1;
	s10 =	sld [smem:$0x3FB6]  }
0x3d: {  	_ =	shalt  }
0x3e: {  	_ =	shalt  }
0x3f: {  	_ =	shalt  }
0x40: {  	_ =	shalt  }
0x41: {  	_ =	shalt  }
0x42: {  	_ =	shalt  }
0x43: {  	_ =	shalt  }
0x44: {  	_ =	shalt  }
0x45: {  	_ =	shalt  }
0x46: {  	_ =	shalt  }
0x47: {  	_ =	shalt  }
0x48: {  	_ =	shalt  }
0x49: {  	_ =	shalt  }
0x4a: {  	_ =	shalt  }
0x4b: {  	_ =	shalt  }
0x4c: {  	_ =	shalt  }
0x4d: {  	_ =	shalt  }
0x4e: {  	_ =	shalt  }
0x4f: {  	_ =	shalt  }
0x50: {  	_ =	shalt  }
0x51: {  	_ =	shalt  }
0x52: {  	_ =	shalt  }
0x53: {  	_ =	shalt  }
0x54: {  	_ =	shalt  }
0x55: {  	_ =	shalt  }
0x56: {  	_ =	shalt  }
0x57: {  	_ =	shalt  }
0x58: {  	_ =	shalt  }
0x59: {  	_ =	shalt  }
0x5a: {  	_ =	shalt  }
0x5b: {  	_ =	shalt  }
0x5c: {  	_ =	shalt  }
0x5d: {  	_ =	shalt  }
0x5e: {  	_ =	shalt  }
0x5f: {  	_ =	shalt  }
0x60: {  	_ =	shalt  }
0x61: {  	_ =	shalt  }
0x62: {  	_ =	shalt  }
0x63: {  	_ =	shalt  }
0x64: {  	_ =	shalt  }
0x65: {  	_ =	shalt  }
0x66: {  	_ =	shalt  }
0x67: {  	_ =	shalt  }
0x68: {  	_ =	shalt  }
0x69: {  	_ =	shalt  }
0x6a: {  	_ =	shalt  }
0x6b: {  	_ =	shalt  }
0x6c: {  	_ =	shalt  }
0x6d: {  	_ =	shalt  }
0x6e: {  	_ =	shalt  }
0x6f: {  	_ =	shalt  }
0x70: {  	_ =	shalt  }
0x71: {  	_ =	shalt  }
0x72: {  	_ =	shalt  }
0x73: {  	_ =	shalt  }
0x74: {  	_ =	shalt  }
0x75: {  	_ =	shalt  }
0x76: {  	_ =	shalt  }
0x77: {  	_ =	shalt  }
0x78: {  	_ =	shalt  }
0x79: {  	_ =	shalt  }
0x7a: {  	_ =	shalt  }
0x7b: {  	_ =	shalt  }
0x7c: {  	_ =	shalt  }
0x7d: {  	_ =	shalt  }
0x7e: {  	_ =	shalt  }
0x7f: {  	_ =	shalt  }
0x80: {  	_ =	shalt  }
0x81: {  	_ =	shalt  }
0x82: {  	_ =	shalt  }
0x83: {  	_ =	shalt  }
0x84: {  	_ =	shalt  }
0x85: {  	_ =	shalt  }
0x86: {  	_ =	shalt  }
0x87: {  	_ =	shalt  }
.Lfunc_end0:
.L_simem_size_0:
called_computation.2_lowered:
.L_overlay_start_0:
0x88: {  	s2 =	sld [smem:$0x3FD9]  }
0x89: {  	s3 =	sld [smem:$0x3FFE];
	_ =	sdelay $0x1  }
0x8a: {  	s1 =	srdreg.scid  }
0x8b: {  	s0 =	sand.u32 $0x1, s1  }
0x8c: {  	s17 =	sshll.u32 s0, $0xA;
	s2 =	sadd.s32 s3, s2  }
0x8d: {  	s2 =	sadd.s32 s2, s17  }
0x8e: {  	[smem:$0x3FC2] =	sst s2  }
0x8f: {  	_ = 	snop  }
0x90: {  	s2 =	sld [smem:$0x3FD0];
	(tm) =	ssettm $0x1  }
0x91: {  	s18 =	sld [smem:$0x3FFB];
	_ =	sdelay $0x3  }
0x92: {  	_ =	strace s18  }
0x93: {  	s3 =	sld [smem:$0x3FFC];
	_ =	sdelay $0x3  }
0x94: {  	_ =	strace s3  }
0x95: {  	s3 =	sld [smem:$0x3FFD];
	_ =	sdelay $0x3  }
0x96: {  	_ =	strace s3  }
0x97: {  	_ =	strace $0x8FFFFFFF  }
0x98: {  	s19 =	sld [smem:$0x3FDB];
	_ =	sdelay $0x1  }
0x99: {  	s4 =	simm.s32 $_scs_section_size  }
0x9a: {  	s5 =	simm.s32 $_size__tile_overlayer_lowered;
	s6 =	simm.s32 $_tile_overlayer_lowered  }
0x9b: {  	s22 =	simm.s32 $0x1BFF;
	s21 =	sshll.u32 s6, $0x1;
	s3 =	sadd.s32 s4, s19  }
0x9c: {  	s7 =	simm.s32 $0x0;
	s20 =	sshll.u32 s5, $0x1;
	s5 =	sadd.s32 s21, s3  }
0x9d: {  	[timem:s7], [sflag:s22] =	dma.local [hbm:s5], s20  }
0x9e: {  	_ =	swait.ge [sflag:s22], s20  }
0x9f: {  	s4 =	ssub.s32 $0x0, s20;
	[sflag:s22] =	ssyncset.done $0x0  }
0xa0: {  	[sflag:s22] =	ssyncadd.s32 s4;
	_ =	sdelay $0x1  }
0xa1: {  	s23 =	simm.s32 $0x1B8B  }
0xa2: {  	_ =	swait.ge [sflag:s23], $0x1  }
0xa3: {  	[sflag:s23] =	ssyncset.done $0x0  }
0xa4: {  	s25 =	simm.s32 $0x1B8E;
	s24 =	sld [smem:$0x3FFE];
	[sflag:s23] =	ssyncadd.s32 $0xFFFFFFFF  }
0xa5: {  	s26 =	simm.s32 $execute0_lowered;
	[smem:$0x3FD2] =	sst s25  }
0xa6: {  	s5 =	sshll.u32 s26, $0x1;
	_ =	strace $0x8000004C;
	[dreg:$0x1] =	wrdreg $0xFFFFFFFF  }
0xa7: {  	s28 =	simm.s32 $_size_execute0_lowered;
	s3 =	sadd.s32 s3, s5;
	[dreg:$0x0] =	wrdreg $0x0  }
0xa8: {  	s5 =	sshll.u32 s28, $0x1;
	[dreg:$0x2] =	wrdreg s3  }
0xa9: {  	[dreg:$0x3] =	wrdreg s5  }
0xaa: {  	[dreg:$0x4] =	wrdreg $0xC0  }
0xab: {  	_ =	task [dreg:s7], $0x5FFFF  }
0xac: {  	[dreg:$0x1] =	wrdreg $0xFFFFFFFF  }
0xad: {  	[dreg:$0x0] =	wrdreg $0x60  }
0xae: {  	[dreg:$0x2] =	wrdreg s24  }
0xaf: {  	[dreg:$0x3] =	wrdreg s2  }
0xb0: {  	[dreg:$0x4] =	wrdreg $0x0  }
0xb1: {  	[dreg:$0x5] =	wrdreg $0x9  }
0xb2: {  	_ =	task.clear_ibuf [dreg:s7], $0x6FFFF;
	_ =	strace $0x9000004C  }
0xb3: {  	s29 =	simm.s32 $0x9;
	_ =	strace $0x8000004E  }
0xb4: {  	_ =	swait.ge [sflag:s29], $0x1  }
0xb5: {  	[sflag:s29] =	ssyncadd.s32 $0xFFFFFFFF  }
0xb6: {  	_ =	strace $0x9000004E  }
0xb7: {  	_ =	sfence  }
0xb8: {  	s30 =	sld [smem:$0x0];
	_ =	sdelay $0x2  }
0xb9: {  	s31 =	sshll.u32 s1, $0xD;
	s1 =	sshrl.u32 s1, $0x2  }
0xba: {  	s3 =	sand.u32 $0x4000, s31;
	s1 =	sadd.s32 s1, s30  }
0xbb: {  	s0 =	sor.u32 s3, s0;
	s1 =	sshll.u32 s1, $0x11  }
0xbc: {  	s0 =	sor.u32 s1, s0  }
0xbd: {  	s0 =	sadd.s32 $0x8F2B, s0  }
0xbe: {  	[sflag:s0] =	ssyncadd.remote.s32 $0x1  }
0xbf: {  	_ =	sfence.sel $0xFFFF  }
0xc0: {  	[dreg:$0x0] =	wrdreg $0xFFFFFFFF;
	(pc) =	sbr.abs _section_cstart, $3  }
0xc1: {  	[dreg:$0x1] =	wrdreg $0xFFFFFFFF  }
0xc2: {  	_ =	task.clear_ibuf [dreg:s7], $0x2FFFF;
	_ =	strace $0x9FFFFFFF  }
0xc3: {  	(tm) =	ssettm $0x7FFFFFFF  }
tec
execute0_lowered:
.L_overlay_start_1:
0x0: {  	(tag) =	ssettag $0x1  }
0x1: {  	s1 =	srdreg.scid;
	s5 =	rddreg [dreg:$0x0]  }
0x2: {  	s0 =	stileid.u32;
	s2 =	rddreg [dreg:$0x1]  }
0x3: {  	s3 =	rddreg [dreg:$0x2];
	s4 =	simm.s32 $0x0;
	s13 =	simm.s32 $0xA000  }
0x4: {  	s14 =	simm.s32 $0x70;
	s15 =	simm.s32 $0xEEC0;
	s16 =	simm.s32 $0xA070  }
0x5: {  	s17 =	simm.s32 $0x10AC0;
	s18 =	simm.s32 $0x0;
	s6 =	sand.u32 $0x1, s1  }
0x6: {  	s29 =	sshll.u32 s0, $0x1;
	s8 =	smul.u32 $0xA000, s0;
	[smem:$0x7FF] =	sst s4  }
0x7: {  	s31 =	sshll.u32 s0, $0x6;
	s1 =	sor.u32 s6, s29;
	s9 =	smul.u32 $0xA0000, s6  }
0x8: {  	s6 =	ssub.s32 $0x2, s6;
	s7 =	smul.u32 $0x4EC, s1;
	s1 =	rddreg [dreg:$0x3]  }
0x9: {  	_ =	strace $0x8000004D;
	s30 =	sshrl.u32 s8, $0x3;
	s11 =	sshrl.u32 s6, $0x1  }
0xa: {  	s12 =	sadd.s32 s8, s3;
	s9 =	sadd.s32 s8, s9;
	s11 =	ssub.s32 s6, s11  }
0xb: {  	s10 =	sadd.s32 s7, s5;
	s7 =	sadd.s32 s30, s5;
	s9 =	sshrl.u32 s9, $0x3  }
0xc: {  	s6 =	sor.u32 $0x1C03, s31;
	s9 =	sadd.s32 s9, s5;
	s5 =	sadd.s32 $0x15C00, s7  }
0xd: {  	s7 =	sadd.s32 $0xBE00, s10;
	s8 =	sadd.s32 $0x2000, s10;
	s10 =	smax.u32 s11, $0x1  }
0xe: {  	s11 =	sshrl.u32 s12, $0x3;
	s12 =	simm.s32 $0x3;
	s9 =	sadd.s32 $0x29C00, s9  }
.LBB2_1:
0xf: {  	[spmem:s11], [sflag:s6] =	dma.local [hbm:s5], $0x1400  }
0x10: {  	_ =	swait.ge [sflag:s12], $0x1400  }
0x11: {  	[sflag:s12] =	ssyncset.done $0x0  }
0x12: {  	[sflag:s12] =	ssyncadd.s32 $0xFFFFEC00  }
0x13: {  	[tilespmem:s13], [sflag:$0x3] =	stream.linear.gather [hbm4b:s7+s4], $0x2760, $0x38;
	[tilespmem:$0x126C0] =	vst v63  }
0x14: {  	_ =	swait.ge [sflag:s12], $0x2760  }
0x15: {  	[sflag:s12] =	ssyncset.done $0x0  }
0x16: {  	s20 =	simm.s32 $0xC760;
	[sflag:s12] =	ssyncadd.s32 $0xFFFFD8A0  }
0x17: {  	[tilespmem:s20], [sflag:$0x3] =	stream.linear.gather [hbm4b:s8+s4], $0x2760, $0x38;
	[tilespmem:$0x126C0] =	vst v63  }
0x18: {  	_ =	swait.ge [sflag:s12], $0x2760  }
0x19: {  	[sflag:s12] =	ssyncset.done $0x0  }
0x1a: {  	[sflag:s12] =	ssyncadd.s32 $0xFFFFD8A0  }
0x1b: {  	s19 =	sand.u32 $0x1, s4;
	[bflag:$0x0] =	sbarrier.arrive $0xFFFF  }
0x1c: {  	[tilespmem:s15], [sflag:$0x1] =	stream.indirect.gather [hbm4b:s2+s14], $0x40, s13, s14, $0xb8;
	[tilespmem:$0x126C0] =	vst v63  }
0x1d: {  	s23 =	smul.u32 $0x7000, s19;
	s22 =	sadd.s32 $0x1, s19  }
0x1e: {  	[tilespmem:s17], [sflag:$0x2] =	stream.indirect.gather [hbm4b:s2+s14], $0x40, s16, s14, $0xb8;
	[tilespmem:$0x126C0] =	vst v63  }
0x1f: {  	_ =	swait.ge [sflag:s22], $0x1C00  }
0x20: {  	s21 =	simm.s32 $0xA0E0;
	s23 =	sshrl.u32 s23, $0x2;
	[sflag:s22] =	ssyncset.done $0x0  }
0x21: {  	s25 =	simm.s32 $0x2;
	s26 =	sadd.s32 $0xEEC0, s23;
	[sflag:s22] =	ssyncadd.s32 $0xFFFFE400  }
0x22: {  	[spmem:s3] =	stream.indirect.scatter.add.f32 [tilespmem:s26], [sflag:$0x3], $0x40, s20, s14, $0xb8;
	[tilespmem:$0x126C0] =	vst v63  }
0x23: {  	p1 =	por $0x0, $0x0;
	s19 =	simm.s32 $0x1;
	_ =	swait.ge [sflag:s12], $0x1C00  }
0x24: {  	s28 =	simm.s32 @!p1 $0x70;
	s24 =	sand.u32 $0x1, s19;
	[sflag:s12] =	ssyncset.done $0x0  }
0x25: {  	s23 =	simm.s32 $0xC7D0;
	s20 =	simm.s32 $0xA150;
	[sflag:s12] =	ssyncadd.s32 $0xFFFFE400  }
.LBB2_2:
0x26: {  	[tilespmem:s26], [sflag:s22] =	stream.indirect.gather @!p1 [hbm4b:s2+s28], $0x40, s21, s28, $0xb8;
	[tilespmem:$0x126C0] =	vst v63  }
0x27: {  	s28 =	smov.u32 s19;
	s19 =	smov.u32 s25;
	s21 =	smov.u32 s20  }
0x28: {  	s26 =	smul.u32 $0x7000, s24;
	s22 =	sadd.s32 $0x1, s24;
	s24 =	sand.u32 $0x1, s25  }
0x29: {  	s25 =	sadd.s32 $0x1, s25;
	_ =	swait.ge [sflag:s22], $0x1C00  }
0x2a: {  	p0 =	sne.s32 s25, $0x5A;
	s26 =	sshrl.u32 s26, $0x2;
	[sflag:s22] =	ssyncset.done $0x0  }
.Ltmp0:
0x2b: {  	s26 =	sadd.s32 $0xEEC0, s26;
	[sflag:s22] =	ssyncadd.s32 $0xFFFFE400;
	(pc) =	sbr.rel @p0 .LBB2_2-.Ltmp0, $4  }
0x2c: {  	[spmem:s3] =	stream.indirect.scatter.add.f32 [tilespmem:s26], [sflag:$0x3], $0x40, s23, s14, $0xb8;
	[tilespmem:$0x126C0] =	vst v63  }
0x2d: {  	_ =	swait.ge [sflag:s12], $0x1C00  }
0x2e: {  	p1 =	sgt.u32 s28, $0x57;
	s23 =	sadd.s32 $0x70, s23;
	[sflag:s12] =	ssyncset.done $0x0  }
0x2f: {  	s20 =	sadd.s32 $0x70, s20;
	s28 =	simm.s32 @!p1 $0x70;
	[sflag:s12] =	ssyncadd.s32 $0xFFFFE400  }
0x30: {  	[tilespmem:s26], [sflag:s22] =	stream.indirect.gather @!p1 [hbm4b:s2+s28], $0x40, s21, s28, $0xb8;
	[tilespmem:$0x126C0] =	vst v63  }
0x31: {  	s31 =	smul.u32 $0x7000, s24;
	s22 =	sadd.s32 $0x1, s24  }
0x32: {  	_ =	swait.ge [sflag:s22], $0x1C00  }
0x33: {  	s21 =	sshrl.u32 s31, $0x2;
	[sflag:s22] =	ssyncset.done $0x0  }
0x34: {  	s21 =	sadd.s32 $0xEEC0, s21;
	[sflag:s22] =	ssyncadd.s32 $0xFFFFE400  }
0x35: {  	[spmem:s3] =	stream.indirect.scatter.add.f32 [tilespmem:s21], [sflag:$0x3], $0x40, s23, s14, $0xb8;
	[tilespmem:$0x126C0] =	vst v63  }
0x36: {  	_ =	swait.ge [sflag:s12], $0x1C00  }
0x37: {  	p0 =	sgt.u32 s19, $0x57;
	[sflag:s12] =	ssyncset.done $0x0  }
0x38: {  	s18 =	sadd.s32 $0x1, s18;
	s19 =	simm.s32 @!p0 $0x70;
	[sflag:s12] =	ssyncadd.s32 $0xFFFFE400  }
0x39: {  	[tilespmem:s21], [sflag:s22] =	stream.indirect.gather @!p0 [hbm4b:s2+s19], $0x40, s20, s19, $0xb8;
	[tilespmem:$0x126C0] =	vst v63  }
0x3a: {  	p0 =	sne.s32 s18, s10  }
.Ltmp1:
0x3b: {  	[bflag:$0x0] =	sbarrier.arrive $0xFFFF;
	(pc) =	sbr.rel @p0 .LBB2_1-.Ltmp1, $4  }
0x3c: {  	[hbm:s9], [sflag:s6] =	dma.local [spmem:s11], $0x1400  }
0x3d: {  	_ =	swait.ge [sflag:s12], $0x1400  }
0x3e: {  	[sflag:s12] =	ssyncset.done $0x0  }
0x3f: {  	[sflag:s12] =	ssyncadd.s32 $0xFFFFEC00  }
0x40: {  	_ =	sfence.sel $0x180000  }
0x41: {  	[bflag:$0x0] =	sbarrier.arrive $0xFFFF  }
0x42: {  	p0 =	sne.s32 s0, $0x0;
	_ =	strace $0x9000004D  }
0x43: {  	s0 =	sadd.s32 @!p0 $0x100000, s1;
	[bflag:$0x2] =	sbarrier.arrive $0xFFFF  }
0x44: {  	[sflag:s0] =	ssyncadd.tile.s32 @!p0 $0x1;
	_ =	shalt  }
.Lfunc_end2:
_tile_overlayer_lowered:
.L_overlay_start_2:
0x45: {  	(tag) =	ssettag $0x2  }
0x46: {  	s0 =	rddreg [dreg:$0x0];
	s2 =	stileid.u32  }
0x47: {  	s1 =	rddreg [dreg:$0x1];
	p0 =	sne.s32 s2, $0x0  }
0x48: {  	s3 =	rddreg [dreg:$0x2];
	[bflag:$0x3] =	sbarrier.arrive $0xFFFF;
	s2 =	simm.s32 @!p0 $0x1C03  }
0x49: {  	[timem:s3], [sflag:s2] =	dma.local @!p0 [hbm:s0], s1  }
0x4a: {  	s0 =	simm.s32 @!p0 $0x3  }
0x4b: {  	_ =	swait.ge @!p0 [sflag:s0], s1  }
0x4c: {  	s1 =	ssub.s32 @!p0 $0x0, s1;
	[sflag:s0] =	ssyncset.done @!p0 $0x0  }
0x4d: {  	[sflag:s0] =	ssyncadd.s32 @!p0 s1  }
0x4e: {  	[bflag:$0x3] =	sbarrier.arrive $0xFFFF  }
0x4f: {  	_ =	shalt  }

// kernel: kernel.8.cloned.1.call-start
scs
__scs_entry_jumppad:
0x0: {  	(pc) =	sbr.rel $0x88, $3  }
0x1: {  	(tag) =	ssettag $0x0;
	lr =	simm.s32 $0x1  }
0x2: {  	[smem:$0x3F9B] =	sst lr;
	_ =	strace $0xD0000000  }
0x3: {  	_ = 	snop  }
0x4: {  	_ = 	snop  }
0x5: {  	_ = 	snop  }
0x6: {  	_ = 	snop  }
0x7: {  	_ = 	snop  }
__scs_overlays_trampoline_lowered:
0x8: {  	[smem:$0x3FAA] =	sst s0  }
0x9: {  	[smem:$0x3FAB] =	sst s1  }
0xa: {  	[smem:$0x3FAC] =	sst s2  }
0xb: {  	[smem:$0x3FAD] =	sst s3  }
0xc: {  	[smem:$0x3FAE] =	sst s4  }
0xd: {  	[smem:$0x3FAF] =	sst s5  }
0xe: {  	[smem:$0x3FB0] =	sst s6  }
0xf: {  	[smem:$0x3FB1] =	sst s7  }
0x10: {  	[smem:$0x3FB2] =	sst s8  }
0x11: {  	[smem:$0x3FB3] =	sst s9;
	s0 =	simm.s32 @!p0 $0x0  }
0x12: {  	s1 =	sld [smem:$0x3F99];
	s0 =	simm.s32 @p0 $0x1  }
0x13: {  	[smem:$0x3FB4] =	sst s0;
	s0 =	simm.s32 @!p1 $0x0  }
0x14: {  	s2 =	sld [smem:$0x3F98];
	s0 =	simm.s32 @p1 $0x1  }
0x15: {  	[smem:$0x3FB5] =	sst s0;
	s0 =	simm.s32 @!p2 $0x0  }
0x16: {  	s3 =	sld [smem:$0x3FDB];
	s0 =	simm.s32 @p2 $0x1  }
0x17: {  	s4 =	simm.s32 $0x1BF5;
	[smem:$0x3FB7] =	sst s0  }
0x18: {  	s0 =	sld [smem:$0x3F9A];
	_ =	swait.ge [sflag:s4], $0x0  }
0x19: {  	s7 =	sld [smem:$0x3F9B]  }
0x1a: {  	s8 =	sadd.s32 $0xFFFFE003, lr  }
0x1b: {  	s9 =	sadd.s32 $0xFFFFFEF7, lr;
	s5 =	simm.s32 $0xFFFFFFFF;
	p2 =	slt.u32 s8, $0xFFFFF086  }
0x1c: {  	p1 =	slt.u32 s9, $0xF7A;
	s5 =	simm.s32 @!p2 $0x0  }
0x1d: {  	s5 =	simm.s32 @p1 $0x1;
	p0 =	seq.s32 s7, s2  }
0x1e: {  	s7 =	smul.u32 @!p0 $0xF7A, s2;
	p2 =	seq.s32 @!p0 s5, $0x0  }
0x1f: {  	s9 =	smul.u32 $0xF7A, s1;
	s8 =	simm.s32 @!p0 $0x1BF5;
	p2 =	por !p2, p0  }
0x20: {  	[sflag:s8] =	ssyncset.s32 @!p0 $0xFFFFF086;
	s6 =	sadd.s32 @!p0 s3, s7;
	s7 =	simm.s32 @!p0 $0x108  }
0x21: {  	s3 =	sadd.s32 s3, s9;
	s6 =	sadd.s32 @!p0 $0x88, s6;
	s7 =	simm.s32 @p2 $0x1082  }
0x22: {  	[simem:s7], [sflag:s8] =	dma.local @!p0 [hbm:s6], $0xF7A  }
0x23: {  	s9 =	sor.u32 $0xD0000000, s2;
	s6 =	simm.s32 $0x108;
	_ =	swait.ge @!p0 [sflag:s8], $0x0  }
0x24: {  	s3 =	sadd.s32 $0x88, s3;
	s6 =	simm.s32 @!p1 $0x1082;
	[sflag:s4] =	ssyncset.s32 $0xFFFFF086  }
0x25: {  	[simem:s6], [sflag:s4] =	dma.local [hbm:s3], $0xF7A  }
0x26: {  	[smem:$0x3F9B] =	sst s1;
	(tag) =	ssettag s2;
	_ =	strace s9  }
0x27: {  	s1 =	sld [smem:$0x3FAB]  }
0x28: {  	s2 =	sld [smem:$0x3FAC]  }
0x29: {  	s4 =	sld [smem:$0x3FAE]  }
0x2a: {  	p0 =	seq.s32 s5, $0x0;
	s5 =	sld [smem:$0x3FAF]  }
0x2b: {  	s6 =	sld [smem:$0x3FB0]  }
0x2c: {  	s7 =	sld [smem:$0x3FB1]  }
0x2d: {  	s3 =	simm.s32 $0x108;
	s8 =	sld [smem:$0x3FB2]  }
0x2e: {  	s3 =	simm.s32 @!p0 $0x1082;
	s9 =	sld [smem:$0x3FB3]  }
0x2f: {  	lr =	sadd.s32 s0, s3;
	s0 =	sld [smem:$0x3FAA]  }
0x30: {  	s3 =	sld [smem:$0x3FAD]  }
0x31: {  	[smem:$0x3FB6] =	sst s10  }
0x32: {  	s10 =	sld [smem:$0x3FB4];
	_ =	sdelay $0x3  }
0x33: {  	p0 =	seq.s32 s10, $0x1;
	s10 =	sld [smem:$0x3FB6];
	_ =	sdelay $0x3  }
0x34: {  	[smem:$0x3FB6] =	sst s10  }
0x35: {  	s10 =	sld [smem:$0x3FB5];
	_ =	sdelay $0x3  }
0x36: {  	p1 =	seq.s32 s10, $0x1;
	s10 =	sld [smem:$0x3FB6];
	_ =	sdelay $0x3  }
0x37: {  	[smem:$0x3FB6] =	sst s10  }
0x38: {  	s10 =	sld [smem:$0x3FB7]  }
0x39: {  	_ = 	snop;
	(pc) =	sbr.ind lr, $3  }
0x3a: {  	_ = 	snop  }
0x3b: {  	_ = 	snop  }
0x3c: {  	p2 =	seq.s32 s10, $0x1;
	s10 =	sld [smem:$0x3FB6]  }
0x3d: {  	_ =	shalt  }
0x3e: {  	_ =	shalt  }
0x3f: {  	_ =	shalt  }
0x40: {  	_ =	shalt  }
0x41: {  	_ =	shalt  }
0x42: {  	_ =	shalt  }
0x43: {  	_ =	shalt  }
0x44: {  	_ =	shalt  }
0x45: {  	_ =	shalt  }
0x46: {  	_ =	shalt  }
0x47: {  	_ =	shalt  }
0x48: {  	_ =	shalt  }
0x49: {  	_ =	shalt  }
0x4a: {  	_ =	shalt  }
0x4b: {  	_ =	shalt  }
0x4c: {  	_ =	shalt  }
0x4d: {  	_ =	shalt  }
0x4e: {  	_ =	shalt  }
0x4f: {  	_ =	shalt  }
0x50: {  	_ =	shalt  }
0x51: {  	_ =	shalt  }
0x52: {  	_ =	shalt  }
0x53: {  	_ =	shalt  }
0x54: {  	_ =	shalt  }
0x55: {  	_ =	shalt  }
0x56: {  	_ =	shalt  }
0x57: {  	_ =	shalt  }
0x58: {  	_ =	shalt  }
0x59: {  	_ =	shalt  }
0x5a: {  	_ =	shalt  }
0x5b: {  	_ =	shalt  }
0x5c: {  	_ =	shalt  }
0x5d: {  	_ =	shalt  }
0x5e: {  	_ =	shalt  }
0x5f: {  	_ =	shalt  }
0x60: {  	_ =	shalt  }
0x61: {  	_ =	shalt  }
0x62: {  	_ =	shalt  }
0x63: {  	_ =	shalt  }
0x64: {  	_ =	shalt  }
0x65: {  	_ =	shalt  }
0x66: {  	_ =	shalt  }
0x67: {  	_ =	shalt  }
0x68: {  	_ =	shalt  }
0x69: {  	_ =	shalt  }
0x6a: {  	_ =	shalt  }
0x6b: {  	_ =	shalt  }
0x6c: {  	_ =	shalt  }
0x6d: {  	_ =	shalt  }
0x6e: {  	_ =	shalt  }
0x6f: {  	_ =	shalt  }
0x70: {  	_ =	shalt  }
0x71: {  	_ =	shalt  }
0x72: {  	_ =	shalt  }
0x73: {  	_ =	shalt  }
0x74: {  	_ =	shalt  }
0x75: {  	_ =	shalt  }
0x76: {  	_ =	shalt  }
0x77: {  	_ =	shalt  }
0x78: {  	_ =	shalt  }
0x79: {  	_ =	shalt  }
0x7a: {  	_ =	shalt  }
0x7b: {  	_ =	shalt  }
0x7c: {  	_ =	shalt  }
0x7d: {  	_ =	shalt  }
0x7e: {  	_ =	shalt  }
0x7f: {  	_ =	shalt  }
0x80: {  	_ =	shalt  }
0x81: {  	_ =	shalt  }
0x82: {  	_ =	shalt  }
0x83: {  	_ =	shalt  }
0x84: {  	_ =	shalt  }
0x85: {  	_ =	shalt  }
0x86: {  	_ =	shalt  }
0x87: {  	_ =	shalt  }
.Lfunc_end0:
.L_simem_size_0:
called_computation_lowered:
.L_overlay_start_0:
0x88: {  	s2 =	sld [smem:$0x3FD9]  }
0x89: {  	s3 =	sld [smem:$0x3FFE];
	_ =	sdelay $0x1  }
0x8a: {  	s1 =	srdreg.scid  }
0x8b: {  	s0 =	sand.u32 $0x1, s1  }
0x8c: {  	s17 =	sshll.u32 s0, $0xA;
	s2 =	sadd.s32 s3, s2  }
0x8d: {  	s2 =	sadd.s32 s2, s17  }
0x8e: {  	[smem:$0x3FC2] =	sst s2  }
0x8f: {  	_ = 	snop  }
0x90: {  	s2 =	sld [smem:$0x3FD0];
	(tm) =	ssettm $0x1  }
0x91: {  	s18 =	sld [smem:$0x3FFB];
	_ =	sdelay $0x3  }
0x92: {  	_ =	strace s18  }
0x93: {  	s3 =	sld [smem:$0x3FFC];
	_ =	sdelay $0x3  }
0x94: {  	_ =	strace s3  }
0x95: {  	s3 =	sld [smem:$0x3FFD];
	_ =	sdelay $0x3  }
0x96: {  	_ =	strace s3  }
0x97: {  	_ =	strace $0x8FFFFFFF  }
0x98: {  	s19 =	sld [smem:$0x3FDB];
	_ =	sdelay $0x1  }
0x99: {  	s4 =	simm.s32 $_scs_section_size  }
0x9a: {  	s5 =	simm.s32 $_size__tile_overlayer_lowered;
	s6 =	simm.s32 $_tile_overlayer_lowered  }
0x9b: {  	s22 =	simm.s32 $0x1BFF;
	s21 =	sshll.u32 s6, $0x1;
	s3 =	sadd.s32 s4, s19  }
0x9c: {  	s7 =	simm.s32 $0x0;
	s20 =	sshll.u32 s5, $0x1;
	s5 =	sadd.s32 s21, s3  }
0x9d: {  	[timem:s7], [sflag:s22] =	dma.local [hbm:s5], s20  }
0x9e: {  	_ =	swait.ge [sflag:s22], s20  }
0x9f: {  	s4 =	ssub.s32 $0x0, s20;
	[sflag:s22] =	ssyncset.done $0x0  }
0xa0: {  	[sflag:s22] =	ssyncadd.s32 s4;
	_ =	sdelay $0x1  }
0xa1: {  	s23 =	simm.s32 $0x1B8B  }
0xa2: {  	_ =	swait.ge [sflag:s23], $0x1  }
0xa3: {  	[sflag:s23] =	ssyncset.done $0x0  }
0xa4: {  	s25 =	simm.s32 $0x1B8E;
	s24 =	sld [smem:$0x3FFE];
	[sflag:s23] =	ssyncadd.s32 $0xFFFFFFFF  }
0xa5: {  	s26 =	simm.s32 $execute0_lowered;
	[smem:$0x3FD2] =	sst s25  }
0xa6: {  	s5 =	sshll.u32 s26, $0x1;
	_ =	strace $0x80000046;
	[dreg:$0x1] =	wrdreg $0xFFFFFFFF  }
0xa7: {  	s28 =	simm.s32 $_size_execute0_lowered;
	s3 =	sadd.s32 s3, s5;
	[dreg:$0x0] =	wrdreg $0x0  }
0xa8: {  	s5 =	sshll.u32 s28, $0x1;
	[dreg:$0x2] =	wrdreg s3  }
0xa9: {  	[dreg:$0x3] =	wrdreg s5  }
0xaa: {  	[dreg:$0x4] =	wrdreg $0xC0  }
0xab: {  	_ =	task [dreg:s7], $0x5FFFF  }
0xac: {  	[dreg:$0x1] =	wrdreg $0xFFFFFFFF  }
0xad: {  	[dreg:$0x0] =	wrdreg $0x60  }
0xae: {  	[dreg:$0x2] =	wrdreg s24  }
0xaf: {  	[dreg:$0x3] =	wrdreg s2  }
0xb0: {  	[dreg:$0x4] =	wrdreg $0x0  }
0xb1: {  	[dreg:$0x5] =	wrdreg $0x9  }
0xb2: {  	_ =	task.clear_ibuf [dreg:s7], $0x6FFFF;
	_ =	strace $0x90000046  }
0xb3: {  	s29 =	simm.s32 $0x9;
	_ =	strace $0x80000048  }
0xb4: {  	_ =	swait.ge [sflag:s29], $0x1  }
0xb5: {  	[sflag:s29] =	ssyncadd.s32 $0xFFFFFFFF  }
0xb6: {  	_ =	strace $0x90000048  }
0xb7: {  	_ =	sfence  }
0xb8: {  	s30 =	sld [smem:$0x0];
	_ =	sdelay $0x2  }
0xb9: {  	s31 =	sshll.u32 s1, $0xD;
	s1 =	sshrl.u32 s1, $0x2  }
0xba: {  	s3 =	sand.u32 $0x4000, s31;
	s1 =	sadd.s32 s1, s30  }
0xbb: {  	s0 =	sor.u32 s3, s0;
	s1 =	sshll.u32 s1, $0x11  }
0xbc: {  	s0 =	sor.u32 s1, s0  }
0xbd: {  	s0 =	sadd.s32 $0x8F2B, s0  }
0xbe: {  	[sflag:s0] =	ssyncadd.remote.s32 $0x1  }
0xbf: {  	_ =	sfence.sel $0xFFFF  }
0xc0: {  	[dreg:$0x0] =	wrdreg $0xFFFFFFFF;
	(pc) =	sbr.abs _section_cstart, $3  }
0xc1: {  	[dreg:$0x1] =	wrdreg $0xFFFFFFFF  }
0xc2: {  	_ =	task.clear_ibuf [dreg:s7], $0x2FFFF;
	_ =	strace $0x9FFFFFFF  }
0xc3: {  	(tm) =	ssettm $0x7FFFFFFF  }
tec
execute0_lowered:
.L_overlay_start_1:
0x0: {  	(tag) =	ssettag $0x1  }
0x1: {  	s5 =	rddreg [dreg:$0x0];
	s1 =	srdreg.scid  }
0x2: {  	s0 =	stileid.u32;
	s8 =	rddreg [dreg:$0x1]  }
0x3: {  	s2 =	rddreg [dreg:$0x2];
	s3 =	simm.s32 $0x0;
	s13 =	simm.s32 $0x2800  }
0x4: {  	s14 =	simm.s32 $0x70;
	s4 =	sand.u32 $0x1, s1;
	s1 =	rddreg [dreg:$0x3]  }
0x5: {  	s15 =	simm.s32 $0x0;
	s26 =	sshll.u32 s0, $0x1;
	[smem:$0x7FF] =	sst s3  }
0x6: {  	s7 =	smul.u32 $0x2800, s0;
	s31 =	sshll.u32 s0, $0x6;
	s6 =	sor.u32 s4, s26  }
0x7: {  	_ =	strace $0x80000047;
	s28 =	ssub.s32 $0x2, s4;
	s12 =	smul.u32 $0x28000, s4  }
0x8: {  	s4 =	sadd.s32 $0x1AC00, s5;
	s6 =	smul.u32 $0x4EC, s6;
	s11 =	sshrl.u32 s28, $0x1  }
0x9: {  	s10 =	sshrl.u32 s7, $0x3;
	s30 =	sadd.s32 s7, s2;
	s29 =	ssub.s32 s28, s11  }
0xa: {  	s7 =	sadd.s32 s7, s12;
	s11 =	simm.s32 $0x1;
	s9 =	sadd.s32 s6, s5  }
0xb: {  	s5 =	sadd.s32 s10, s5;
	s6 =	sor.u32 $0x1C01, s31;
	s12 =	sshrl.u32 s7, $0x3  }
0xc: {  	s10 =	sshrl.u32 s30, $0x3;
	s5 =	sadd.s32 $0x15C00, s5;
	s7 =	sadd.s32 $0x2000, s9  }
0xd: {  	s8 =	sadd.s32 s8, s12;
	s9 =	smax.u32 s29, $0x1;
	s12 =	simm.s32 $0x4F60  }
.LBB2_1:
0xe: {  	[spmem:s10], [sflag:s6] =	dma.local [hbm:s5], $0x500  }
0xf: {  	_ =	swait.ge [sflag:s11], $0x500  }
0x10: {  	[sflag:s11] =	ssyncset.done $0x0  }
0x11: {  	[sflag:s11] =	ssyncadd.s32 $0xFFFFFB00  }
0x12: {  	[tilespmem:s12], [sflag:$0x1] =	stream.linear.gather [hbm4b:s4+s3], $0x700, $0x38;
	[tilespmem:$0x5660] =	vst v63  }
0x13: {  	_ =	swait.ge [sflag:s11], $0x700  }
0x14: {  	[sflag:s11] =	ssyncset.done $0x0  }
0x15: {  	[sflag:s11] =	ssyncadd.s32 $0xFFFFF900  }
0x16: {  	[tilespmem:s13], [sflag:$0x1] =	stream.linear.gather [hbm4b:s7+s3], $0x2760, $0x38;
	[tilespmem:$0x5660] =	vst v63  }
0x17: {  	_ =	swait.ge [sflag:s11], $0x2760  }
0x18: {  	[sflag:s11] =	ssyncset.done $0x0  }
0x19: {  	[sflag:s11] =	ssyncadd.s32 $0xFFFFD8A0  }
0x1a: {  	s16 =	simm.s32 $0x2800;
	[bflag:$0x0] =	sbarrier.arrive $0xFFFF  }
0x1b: {  	[spmem:s2] =	stream.indirect.scatter.add.f32 [tilespmem:s12], [sflag:$0x1], $0x10, s16, s14, $0xb8;
	[tilespmem:$0x5660] =	vst v63  }
0x1c: {  	s16 =	simm.s32 $0x1C0;
	_ =	swait.ge [sflag:s11], $0x700  }
.LBB2_2:
0x1d: {  	s17 =	sshra.s32 s16, $0x2;
	[sflag:s11] =	ssyncset.done $0x0;
	p0 =	sne.s32 s16, $0x9BC0  }
.Ltmp0:
0x1e: {  	s17 =	sadd.s32 $0x2800, s17;
	[sflag:s11] =	ssyncadd.s32 $0xFFFFF900;
	(pc) =	sbr.rel @p0 .LBB2_2-.Ltmp0, $3  }
0x1f: {  	[spmem:s2] =	stream.indirect.scatter.add.f32 [tilespmem:s12], [sflag:$0x1], $0x10, s17, s14, $0xb8;
	[tilespmem:$0x5660] =	vst v63  }
0x20: {  	s16 =	sadd.s32 $0x1C0, s16;
	_ =	sdelay $0x1  }
0x21: {  	_ =	swait.ge [sflag:s11], $0x700  }
0x22: {  	[sflag:s11] =	ssyncset.done $0x0;
	s15 =	sadd.s32 $0x1, s15  }
0x23: {  	[sflag:s11] =	ssyncadd.s32 $0xFFFFF900;
	p0 =	sne.s32 s15, s9  }
.Ltmp1:
0x24: {  	[bflag:$0x0] =	sbarrier.arrive $0xFFFF;
	(pc) =	sbr.rel @p0 .LBB2_1-.Ltmp1, $4  }
0x25: {  	[hbm:s8], [sflag:s6] =	dma.local [spmem:s10], $0x500  }
0x26: {  	_ =	swait.ge [sflag:s11], $0x500  }
0x27: {  	[sflag:s11] =	ssyncset.done $0x0  }
0x28: {  	[sflag:s11] =	ssyncadd.s32 $0xFFFFFB00  }
0x29: {  	_ =	sfence.sel $0x180000  }
0x2a: {  	[bflag:$0x0] =	sbarrier.arrive $0xFFFF  }
0x2b: {  	p0 =	sne.s32 s0, $0x0;
	_ =	strace $0x90000047  }
0x2c: {  	s0 =	sadd.s32 @!p0 $0x100000, s1;
	[bflag:$0x2] =	sbarrier.arrive $0xFFFF  }
0x2d: {  	[sflag:s0] =	ssyncadd.tile.s32 @!p0 $0x1;
	_ =	shalt  }
.Lfunc_end2:
_tile_overlayer_lowered:
.L_overlay_start_2:
0x2e: {  	(tag) =	ssettag $0x2  }
0x2f: {  	s0 =	rddreg [dreg:$0x0];
	s2 =	stileid.u32  }
0x30: {  	s1 =	rddreg [dreg:$0x1];
	p0 =	sne.s32 s2, $0x0  }
0x31: {  	s3 =	rddreg [dreg:$0x2];
	[bflag:$0x3] =	sbarrier.arrive $0xFFFF;
	s2 =	simm.s32 @!p0 $0x1C01  }
0x32: {  	[timem:s3], [sflag:s2] =	dma.local @!p0 [hbm:s0], s1  }
0x33: {  	s0 =	simm.s32 @!p0 $0x1  }
0x34: {  	_ =	swait.ge @!p0 [sflag:s0], s1  }
0x35: {  	s1 =	ssub.s32 @!p0 $0x0, s1;
	[sflag:s0] =	ssyncset.done @!p0 $0x0  }
0x36: {  	[sflag:s0] =	ssyncadd.s32 @!p0 s1  }
0x37: {  	[bflag:$0x3] =	sbarrier.arrive $0xFFFF  }
0x38: {  	_ =	shalt  }

</sc_bundles>
